<compile_context>
chip_gen: v7x
topology: tpu7x:2x2x1
jax: 0.10.2.dev20260603
libtpu: 0.0.44.dev20260713+nightly
codegen_flags: <defaults>
</compile_context>

<pallas_src>
import functools

import jax
import jax.numpy as jnp
from jax import lax
from jax.experimental import pallas as pl
from jax.experimental.pallas import tpu as pltpu
from jax.experimental.pallas import tpu_sc as plsc

_L = 1024
_K = 64
_EXCL = 3
_R_ON = 10.0
_R_CUT = 12.0
_NCENT = 8
_INF_BITS = 0x7F800000


def _dist_thr_emb_body(rr_ref, rc_ref, seq_ref, emb_ref, d2_ref, thr_ref,
                       e_ref, lo_ref, hi_ref):
    xrow = rr_ref[0, 0:1, :]
    yrow = rr_ref[0, 1:2, :]
    zrow = rr_ref[0, 2:3, :]
    tr = 16

    def tile(it, carry):
        r0 = it * tr
        xc = rc_ref[0, pl.ds(r0, tr), 0:1]
        yc = rc_ref[0, pl.ds(r0, tr), 1:2]
        zc = rc_ref[0, pl.ds(r0, tr), 2:3]
        dx = xc - xrow
        dy = yc - yrow
        dz = zc - zrow
        d2t = dx * dx + dy * dy + dz * dz
        ri = lax.broadcasted_iota(jnp.int32, (tr, _L), 0) + r0
        ci = lax.broadcasted_iota(jnp.int32, (tr, _L), 1)
        d2t = jnp.where(jnp.abs(ri - ci) <= _EXCL, jnp.inf, d2t)
        d2_ref[0, pl.ds(r0, tr), :] = d2t
        lo_ref[pl.ds(r0, tr), 0:1] = jnp.zeros((tr, 1), jnp.int32)
        hi_ref[pl.ds(r0, tr), 0:1] = jnp.full((tr, 1), _INF_BITS, jnp.int32)
        return carry

    lax.fori_loop(0, _L // tr, tile, 0, unroll=2)

    br = 32

    def bis_iter(_, carry):
        def sub(st, c2):
            r0 = st * br
            keys = lax.bitcast_convert_type(d2_ref[0, pl.ds(r0, br), :],
                                            jnp.int32)
            lo = lo_ref[pl.ds(r0, br), 0:1]
            hi = hi_ref[pl.ds(r0, br), 0:1]
            mid = lo + (hi - lo) // 2
            cnt = jnp.sum(jnp.where(keys <= mid, 1, 0), axis=1, keepdims=True)
            sel = cnt >= _K
            lo_ref[pl.ds(r0, br), 0:1] = jnp.where(sel, lo, mid + 1)
            hi_ref[pl.ds(r0, br), 0:1] = jnp.where(sel, mid, hi)
            return c2

        lax.fori_loop(0, _L // br, sub, 0, unroll=8)
        return carry

    lax.fori_loop(0, 31, bis_iter, 0)

    def thr_tile(it, carry):
        r0 = it * tr
        thrf = lax.bitcast_convert_type(hi_ref[pl.ds(r0, tr), 0:1], jnp.float32)
        thr_ref[0, pl.ds(r0, tr), :] = jnp.broadcast_to(thrf, (tr, 16))
        return carry

    lax.fori_loop(0, _L // tr, thr_tile, 0)

    sc = seq_ref[0]
    aa = lax.broadcasted_iota(jnp.int32, (_L, 32), 1)
    oh = (sc == aa).astype(jnp.float32)
    e_ref[0] = jnp.dot(oh, emb_ref[...], preferred_element_type=jnp.float32)


def _stage1(Rr, Rc, seqc, emb_pad):
    B = Rr.shape[0]
    return pl.pallas_call(
        _dist_thr_emb_body,
        grid=(B,),
        in_specs=[
            pl.BlockSpec((1, 3, _L), lambda b: (b, 0, 0)),
            pl.BlockSpec((1, _L, 3), lambda b: (b, 0, 0)),
            pl.BlockSpec((1, _L, 1), lambda b: (b, 0, 0)),
            pl.BlockSpec((32, 16), lambda b: (0, 0)),
        ],
        out_specs=[
            pl.BlockSpec((1, _L, _L), lambda b: (b, 0, 0)),
            pl.BlockSpec((1, _L, 16), lambda b: (b, 0, 0)),
            pl.BlockSpec((1, _L, 16), lambda b: (b, 0, 0)),
        ],
        out_shape=[
            jax.ShapeDtypeStruct((B, _L, _L), jnp.float32),
            jax.ShapeDtypeStruct((B, _L, 16), jnp.float32),
            jax.ShapeDtypeStruct((B, _L, 16), jnp.float32),
        ],
        scratch_shapes=[
            pltpu.VMEM((_L, 128), jnp.int32),
            pltpu.VMEM((_L, 128), jnp.int32),
        ],
        compiler_params=pltpu.CompilerParams(
            dimension_semantics=("arbitrary",),
        ),
    )(Rr, Rc, seqc, emb_pad)


_NW = 32
_CH = 16


def _sc_body(d2_hbm, thr_hbm, e_hbm, joff_hbm, ej_hbm, d2s_hbm,
             rows_v, thr_v, d2b_v, jb_v, jgr_v, d2sel_v, ej_v, joff_v, sem):
    cid = lax.axis_index("c")
    sid = lax.axis_index("s")
    wid = sid * 2 + cid
    rows_per_w = (16 * _L) // _NW
    base = wid * rows_per_w

    def chunk_body(ci, carry):
        g0 = base + ci * _CH
        pltpu.sync_copy(d2_hbm.at[pl.ds(g0 * _L, _CH * _L)], rows_v)
        pltpu.sync_copy(thr_hbm.at[pl.ds(g0 * 16, _CH * 16)], thr_v)
        pltpu.sync_copy(joff_hbm.at[pl.ds(wid * 16, 16)], joff_v)

        def row_body(t, ro_v):
            thr = thr_v[pl.ds(t * 16, 16)]
            ones = jnp.full((16,), 1, jnp.int32)
            zeros = jnp.full((16,), 0, jnp.int32)
            dump = jnp.full((16,), _L + 15, jnp.int32)
            step16 = jnp.full((16,), 16, jnp.int32)
            iota0 = lax.iota(jnp.int32, 16)

            def le_pass(v, carry):
                off_v, jv = carry
                dv = rows_v[pl.ds(t * _L + v * 16, 16)]
                m = dv <= thr
                inc = jnp.where(m, ones, zeros)
                pref = plsc.cumsum(inc)
                pos = jnp.where(m, off_v + pref - 1, dump)
                plsc.store_scatter(jb_v, [pos], jv)
                cnt = plsc.all_reduce_population_count(m)
                return off_v + cnt, jv + step16

            lax.fori_loop(0, _L // 16, le_pass, (zeros, iota0), unroll=8)

            jo = joff_v[pl.ds(0, 16)]
            for u in range(_K // 16):
                jbu = jb_v[pl.ds(u * 16, 16)]
                d2sel_v[pl.ds(t * _K + u * 16, 16)] = plsc.load_gather(
                    rows_v, [jbu + ro_v])
                jgr_v[t, pl.ds(u * 16, 16)] = jbu + jo
            pltpu.async_copy(e_hbm.at[jgr_v.at[t]],
                             ej_v.at[pl.ds(t * _K, _K)], sem)
            return ro_v + jnp.full((16,), _L, jnp.int32)

        lax.fori_loop(0, _CH, row_body, jnp.full((16,), 0, jnp.int32))

        for _ in range(_CH):
            pltpu.make_async_copy(e_hbm.at[pl.ds(0, _K)],
                                  ej_v.at[pl.ds(0, _K)], sem).wait()

        pltpu.sync_copy(ej_v, ej_hbm.at[pl.ds(g0 * _K, _CH * _K)])
        pltpu.sync_copy(d2sel_v, d2s_hbm.at[pl.ds(g0 * _K, _CH * _K)])
        return carry

    lax.fori_loop(0, rows_per_w // _CH, chunk_body, 0)


def _stage2(d2_flat, thr_flat, e_rows, joff_tab):
    n_pairs = 16 * _L * _K
    mesh = plsc.VectorSubcoreMesh(core_axis_name="c", subcore_axis_name="s",
                                  num_cores=2, num_subcores=16)
    f = functools.partial(
        pl.kernel,
        out_type=[
            jax.ShapeDtypeStruct((n_pairs, 16), jnp.float32),
            jax.ShapeDtypeStruct((n_pairs,), jnp.float32),
        ],
        mesh=mesh,
        scratch_types=[
            pltpu.VMEM((_CH * _L,), jnp.float32),
            pltpu.VMEM((_CH * 16,), jnp.float32),
            pltpu.VMEM((_L + 16,), jnp.float32),
            pltpu.VMEM((_L + 16,), jnp.int32),
            pltpu.VMEM((_CH, _K), jnp.int32),
            pltpu.VMEM((_CH * _K,), jnp.float32),
            pltpu.VMEM((_CH * _K, 16), jnp.float32),
            pltpu.VMEM((16,), jnp.int32),
            pltpu.SemaphoreType.DMA,
        ],
        compiler_params=pltpu.CompilerParams(use_tc_tiling_on_sc=False, needs_layout_passes=False),
    )(_sc_body)
    return f(d2_flat, thr_flat, e_rows, joff_tab)


def _mlp_body(e_ref, ej_ref, d2_ref, w1_ref, b1_ref, w2_ref, b2_ref,
              w3_ref, b3_ref, out_ref):
    ib = pl.program_id(1)
    ctr_i = lax.broadcasted_iota(jnp.int32, (1, _NCENT), 1)
    centers = jnp.where(ctr_i == 7, 1e18, ctr_i.astype(jnp.float32) + 5.0)
    n = ej_ref.shape[1]
    rb = n // _K
    ej = ej_ref[0]
    ei = jnp.reshape(
        jnp.broadcast_to(e_ref[0][:, None, :], (rb, _K, 16)), (n, 16))
    pf = jnp.concatenate([ei, ej, ei * ej], axis=1).astype(jnp.bfloat16)
    h = jnp.maximum(
        jnp.dot(pf, w1_ref[...].astype(jnp.bfloat16),
                preferred_element_type=jnp.float32) + b1_ref[...], 0.0)
    h = jnp.maximum(
        jnp.dot(h.astype(jnp.bfloat16), w2_ref[...].astype(jnp.bfloat16),
                preferred_element_type=jnp.float32) + b2_ref[...], 0.0)
    lgT = lax.dot_general(
        w3_ref[...].astype(jnp.bfloat16), h.astype(jnp.bfloat16),
        (((0,), (1,)), ((), ())),
        preferred_element_type=jnp.float32) + b3_ref[...]
    d2row = d2_ref[0]
    r = jnp.sqrt(d2row + 1e-12)
    x = jnp.clip((_R_CUT - r) * (1.0 / (_R_CUT - _R_ON)), 0.0, 1.0)
    sw = x * x * (3.0 - 2.0 * x)
    rB = jnp.broadcast_to(r, (_NCENT, n))
    swB = jnp.broadcast_to(sw, (_NCENT, n))
    c_idx = lax.broadcasted_iota(jnp.int32, (_NCENT, n), 0)
    centers = jnp.where(c_idx == 7, 1e18, c_idx.astype(jnp.float32) + 5.0)
    w = jnp.maximum(lgT, 0.0) + jnp.log1p(jnp.exp(-jnp.abs(lgT)))
    dd = rB - centers
    phi = jnp.exp(dd * dd * (-2.0))
    s = -jnp.sum(w * phi * swB)
    sv = jnp.full((1, 8, 128), s, jnp.float32)

    @pl.when(ib == 0)
    def _init():
        out_ref[...] = sv

    @pl.when(ib != 0)
    def _acc():
        out_ref[...] += sv


def _stage3(e, ej, d2s, W1, b1, W2, b2, W3p, b3p):
    B = e.shape[0]
    rb = 128
    nb = _L // rb
    pairs = rb * _K
    return pl.pallas_call(
        _mlp_body,
        grid=(B, nb),
        in_specs=[
            pl.BlockSpec((1, rb, 16), lambda b, i: (b, i, 0)),
            pl.BlockSpec((1, pairs, 16), lambda b, i: (b, i, 0)),
            pl.BlockSpec((1, 1, pairs), lambda b, i: (b * 8 + i, 0, 0)),
            pl.BlockSpec((48, 128), lambda b, i: (0, 0)),
            pl.BlockSpec((1, 128), lambda b, i: (0, 0)),
            pl.BlockSpec((128, 128), lambda b, i: (0, 0)),
            pl.BlockSpec((1, 128), lambda b, i: (0, 0)),
            pl.BlockSpec((128, _NCENT), lambda b, i: (0, 0)),
            pl.BlockSpec((_NCENT, 1), lambda b, i: (0, 0)),
        ],
        out_specs=pl.BlockSpec((1, 8, 128), lambda b, i: (b, 0, 0)),
        out_shape=jax.ShapeDtypeStruct((B, 8, 128), jnp.float32),
        compiler_params=pltpu.CompilerParams(
            dimension_semantics=("parallel", "arbitrary"),
        ),
    )(e, ej, d2s, W1, b1, W2, b2, W3p, b3p)


def kernel(R, seq, emb, W1, b1, W2, b2, W3, b3):
    B, L, _ = R.shape
    Rr = jnp.transpose(R, (0, 2, 1))
    seqc = seq.astype(jnp.int32).reshape(B, L, 1)
    emb_pad = jnp.zeros((32, 16), jnp.float32).at[:20, :].set(emb)

    d2, thr16, e = _stage1(Rr, R, seqc, emb_pad)

    joff_tab = jnp.repeat(
        (jnp.arange(_NW, dtype=jnp.int32) * ((B * L) // _NW)) // L * L, 16)
    ej_flat, d2s_flat = _stage2(
        d2.reshape(-1), thr16.reshape(-1), e.reshape(B * L, 16), joff_tab)

    ej = ej_flat.reshape(B, L * _K, 16)
    d2s = d2s_flat.reshape(B * 8, 1, (L * _K) // 8)
    W3p = jnp.zeros((128, _NCENT), jnp.float32).at[:, :7].set(W3)
    b3p = jnp.zeros((_NCENT, 1), jnp.float32).at[:7, 0].set(b3)
    out = _stage3(e, ej, d2s, W1, b1.reshape(1, 128), W2,
                  b2.reshape(1, 128), W3p, b3p)
    return out[:, 0, 0]

# --- scband reference (transcript-rebuilt; emitter-appended) ---
"""Pipeline reference for scband-packing-energy-2628519985579 (READ-ONLY COPY).

The authoritative reference and input builder live on the scoring server;
editing this copy changes nothing except your own understanding.
"""

import jax, jax.numpy as jnp
import numpy as np

NUM_AA = 20
EMB_DIM = 16
KNN = 64
EXCLUDE = 3
R_ON = 10.0
R_CUT = 12.0
CENTERS = jnp.array([5.0, 6.0, 7.0, 8.0, 9.0, 10.0, 11.0], dtype=jnp.float32)
WIDTHS = jnp.full((7,), 0.5, dtype=jnp.float32)


def setup_inputs(seed: int = 0) -> dict:
    key = jax.random.key(seed)
    ks = jax.random.split(key, 10)
    B, L = 16, 1024
    # coordinates scaled to realistic angstrom-like spread so distances span the RBF centers
    R = jax.random.normal(ks[0], (B, L, 3), dtype=jnp.float32) * 10.0
    seq = jax.random.randint(ks[1], (B, L), 0, NUM_AA)
    emb = jax.random.normal(ks[2], (NUM_AA, EMB_DIM), dtype=jnp.float32) * 0.1
    d_in = 3 * EMB_DIM
    W1 = jax.random.normal(ks[3], (d_in, 128), dtype=jnp.float32) * (1.0 / np.sqrt(d_in))
    b1 = jnp.zeros((128,), jnp.float32)
    W2 = jax.random.normal(ks[4], (128, 128), dtype=jnp.float32) * (1.0 / np.sqrt(128.0))
    b2 = jnp.zeros((128,), jnp.float32)
    W3 = jax.random.normal(ks[5], (128, 7), dtype=jnp.float32) * (1.0 / np.sqrt(128.0))
    b3 = jnp.zeros((7,), jnp.float32)
    return {"R": R, "seq": seq, "emb": emb, "W1": W1, "b1": b1, "W2": W2, "b2": b2, "W3": W3, "b3": b3}


def topk_nonbonded_pairs(R, K, exclude):
    B, L, _ = R.shape
    diff = R[:, :, None, :] - R[:, None, :, :]
    dist = jnp.sqrt(jnp.sum(diff * diff, axis=-1) + 1e-12)
    idx = jnp.arange(L)
    sep = jnp.abs(idx[:, None] - idx[None, :])
    masked = jnp.where((sep <= exclude)[None, :, :], jnp.inf, dist)
    neg_vals, j = jax.lax.top_k(-masked, K)
    return -neg_vals, j


def distance_features(r, centers, widths):
    d = r[..., None] - centers
    return jnp.exp(-(d * d) / (2.0 * widths * widths))


def smooth_switch(r, r_on, r_cut):
    x = jnp.clip((r_cut - r) / (r_cut - r_on), 0.0, 1.0)
    return x * x * (3.0 - 2.0 * x)


def reference(R, seq, emb, W1, b1, W2, b2, W3, b3):
    e = jnp.take(emb, seq, axis=0)  # (B, L, d)
    r, j = topk_nonbonded_pairs(R, KNN, EXCLUDE)  # (B, L, K)
    e_j = jax.vmap(lambda eb, jb: eb[jb])(e, j)  # (B, L, K, d)
    e_i = jnp.broadcast_to(e[:, :, None, :], e_j.shape)
    pair_feat = jnp.concatenate([e_i, e_j, e_i * e_j], axis=-1)
    h = jax.nn.relu(pair_feat @ W1 + b1)
    h = jax.nn.relu(h @ W2 + b2)
    logits = h @ W3 + b3
    w = jax.nn.softplus(logits)
    phi = distance_features(r, CENTERS, WIDTHS)
    att = -jnp.sum(w * phi, axis=-1)
    sw = smooth_switch(r, R_ON, R_CUT)
    return jnp.sum(att * sw, axis=(1, 2))

if __name__ == "__main__":
    import jax
    _d = setup_inputs()
    print(jax.jit(kernel)(*tuple(_d.values())))

</pallas_src>

<mosaic_0001>
#map = affine_map<(d0, d1) -> (0)>
#map1 = affine_map<(d0, d1) -> (0, 0)>
module attributes {stable_mosaic.version = 14 : i64} {
  func.func @_sc_body(%arg0: i32, %arg1: i32, %arg2: memref<16777216xf32, #tpu.memory_space<hbm>>, %arg3: memref<262144xf32, #tpu.memory_space<hbm>>, %arg4: memref<16384x16xf32, #tpu.memory_space<hbm>>, %arg5: memref<512xi32, #tpu.memory_space<hbm>>, %arg6: memref<1048576x16xf32, #tpu.memory_space<hbm>>, %arg7: memref<1048576xf32, #tpu.memory_space<hbm>>, %arg8: memref<16384xf32, #tpu.memory_space<vmem>>, %arg9: memref<256xf32, #tpu.memory_space<vmem>>, %arg10: memref<1040xf32, #tpu.memory_space<vmem>>, %arg11: memref<1040xi32, #tpu.memory_space<vmem>>, %arg12: memref<16x64xi32, #tpu.memory_space<vmem>>, %arg13: memref<1024xf32, #tpu.memory_space<vmem>>, %arg14: memref<1024x16xf32, #tpu.memory_space<vmem>>, %arg15: memref<16xi32, #tpu.memory_space<vmem>>, %arg16: memref<!tpu.dma_semaphore, #tpu.memory_space<semaphore_mem>>) attributes {dimension_semantics = [#tpu.dimension_semantics<core_parallel>, #tpu.dimension_semantics<subcore_parallel>], iteration_bounds = array<i64: 2, 16>, scalar_prefetch = 0 : i64, scratch_operands = 9 : i64, tpu.core_type = #tpu.core_type<sc_vector_subcore>, window_params = [{transform_indices = #map}, {transform_indices = #map}, {transform_indices = #map1}, {transform_indices = #map}, {transform_indices = #map1}, {transform_indices = #map}]} {
    %mul3A = arith.constant 2 : i32
    %mul3A_0 = arith.muli %arg1, %mul3A : i32
    %add3A = arith.addi %mul3A_0, %arg0 : i32
    %mul3A_1 = arith.constant 512 : i32
    %mul3A_2 = arith.muli %add3A, %mul3A_1 : i32
    %scan3A = arith.constant 0 : i32
    %scan3A_3 = arith.constant 0 : i32
    %scan3A_4 = arith.constant 32 : i32
    %scan3A_5 = arith.addi %scan3A_3, %scan3A_4 : i32
    %scan3A_6 = arith.constant 1 : i32
    scf.for %scan3A_8 = %scan3A_3 to %scan3A_5 step %scan3A_6  : i32 {
      %mul3A_9 = arith.constant 16 : i32
      %mul3A_10 = arith.muli %scan3A_8, %mul3A_9 : i32
      %add3A_11 = arith.addi %mul3A_2, %mul3A_10 : i32
      %mul3A_12 = arith.constant 1024 : i32
      %mul3A_13 = arith.muli %add3A_11, %mul3A_12 : i32
      "tpu.region"() ({
        %run_scoped3A = tpu.sem_alloc : memref<!tpu.dma_semaphore, #tpu.memory_space<semaphore_mem>>
        %dma_start3A = tpu.memref_slice %arg2[%mul3A_13] : memref<16777216xf32, #tpu.memory_space<hbm>> -> memref<16384xf32, #tpu.memory_space<hbm>>
        %dma_start3A_220 = tpu.memref_slice %arg2[%mul3A_13] : memref<16777216xf32, #tpu.memory_space<hbm>> -> memref<16384xf32, #tpu.memory_space<hbm>>
        tpu.enqueue_dma source(%dma_start3A_220 : memref<16384xf32, #tpu.memory_space<hbm>>) target(%arg8 : memref<16384xf32, #tpu.memory_space<vmem>>) target_semaphore(%run_scoped3A : memref<!tpu.dma_semaphore, #tpu.memory_space<semaphore_mem>>)
        %dma_wait3A_221 = tpu.memref_slice %arg2[%mul3A_13] : memref<16777216xf32, #tpu.memory_space<hbm>> -> memref<16384xf32, #tpu.memory_space<hbm>>
        %dma_wait3A_222 = tpu.memref_slice %arg2[%mul3A_13] : memref<16777216xf32, #tpu.memory_space<hbm>> -> memref<16384xf32, #tpu.memory_space<hbm>>
        tpu.wait_dma2 semaphore(%run_scoped3A : memref<!tpu.dma_semaphore, #tpu.memory_space<semaphore_mem>>) src(%dma_wait3A_222 : memref<16384xf32, #tpu.memory_space<hbm>>) dst(%arg8 : memref<16384xf32, #tpu.memory_space<vmem>>)
        tpu.yield
      }) : () -> ()
      %mul3A_14 = arith.constant 16 : i32
      %mul3A_15 = arith.muli %add3A_11, %mul3A_14 : i32
      "tpu.region"() ({
        %run_scoped3A = tpu.sem_alloc : memref<!tpu.dma_semaphore, #tpu.memory_space<semaphore_mem>>
        %dma_start3A = tpu.memref_slice %arg3[%mul3A_15] : memref<262144xf32, #tpu.memory_space<hbm>> -> memref<256xf32, #tpu.memory_space<hbm>>
        %dma_start3A_220 = tpu.memref_slice %arg3[%mul3A_15] : memref<262144xf32, #tpu.memory_space<hbm>> -> memref<256xf32, #tpu.memory_space<hbm>>
        tpu.enqueue_dma source(%dma_start3A_220 : memref<256xf32, #tpu.memory_space<hbm>>) target(%arg9 : memref<256xf32, #tpu.memory_space<vmem>>) target_semaphore(%run_scoped3A : memref<!tpu.dma_semaphore, #tpu.memory_space<semaphore_mem>>)
        %dma_wait3A_221 = tpu.memref_slice %arg3[%mul3A_15] : memref<262144xf32, #tpu.memory_space<hbm>> -> memref<256xf32, #tpu.memory_space<hbm>>
        %dma_wait3A_222 = tpu.memref_slice %arg3[%mul3A_15] : memref<262144xf32, #tpu.memory_space<hbm>> -> memref<256xf32, #tpu.memory_space<hbm>>
        tpu.wait_dma2 semaphore(%run_scoped3A : memref<!tpu.dma_semaphore, #tpu.memory_space<semaphore_mem>>) src(%dma_wait3A_222 : memref<256xf32, #tpu.memory_space<hbm>>) dst(%arg9 : memref<256xf32, #tpu.memory_space<vmem>>)
        tpu.yield
      }) : () -> ()
      %mul3A_16 = arith.constant 16 : i32
      %mul3A_17 = arith.muli %add3A, %mul3A_16 : i32
      "tpu.region"() ({
        %run_scoped3A = tpu.sem_alloc : memref<!tpu.dma_semaphore, #tpu.memory_space<semaphore_mem>>
        %dma_start3A = tpu.memref_slice %arg5[%mul3A_17] : memref<512xi32, #tpu.memory_space<hbm>> -> memref<16xi32, #tpu.memory_space<hbm>>
        %dma_start3A_220 = tpu.memref_slice %arg5[%mul3A_17] : memref<512xi32, #tpu.memory_space<hbm>> -> memref<16xi32, #tpu.memory_space<hbm>>
        tpu.enqueue_dma source(%dma_start3A_220 : memref<16xi32, #tpu.memory_space<hbm>>) target(%arg15 : memref<16xi32, #tpu.memory_space<vmem>>) target_semaphore(%run_scoped3A : memref<!tpu.dma_semaphore, #tpu.memory_space<semaphore_mem>>)
        %dma_wait3A_221 = tpu.memref_slice %arg5[%mul3A_17] : memref<512xi32, #tpu.memory_space<hbm>> -> memref<16xi32, #tpu.memory_space<hbm>>
        %dma_wait3A_222 = tpu.memref_slice %arg5[%mul3A_17] : memref<512xi32, #tpu.memory_space<hbm>> -> memref<16xi32, #tpu.memory_space<hbm>>
        tpu.wait_dma2 semaphore(%run_scoped3A : memref<!tpu.dma_semaphore, #tpu.memory_space<semaphore_mem>>) src(%dma_wait3A_222 : memref<16xi32, #tpu.memory_space<hbm>>) dst(%arg15 : memref<16xi32, #tpu.memory_space<vmem>>)
        tpu.yield
      }) : () -> ()
      %broadcast_in_dim3A = arith.constant 0 : i32
      %broadcast_in_dim3A_18 = vector.broadcast %broadcast_in_dim3A : i32 to vector<16xi32>
      %scan3A_19 = arith.constant 0 : i32
      %scan3A_20 = arith.constant 16 : i32
      %scan3A_21 = arith.addi %scan3A_19, %scan3A_20 : i32
      %scan3A_22 = arith.constant 1 : i32
      %scan3A_23 = scf.for %scan3A_220 = %scan3A_19 to %scan3A_21 step %scan3A_22 iter_args(%scan3A_221 = %broadcast_in_dim3A_18) -> (vector<16xi32>)  : i32 {
        %mul3A_222 = arith.constant 16 : i32
        %mul3A_223 = arith.muli %scan3A_220, %mul3A_222 : i32
        %get3A = arith.index_cast %mul3A_223 : i32 to index
        %get3A_224 = tpu.vector_load %arg9[%get3A] {strides = array<i32>} : memref<256xf32, #tpu.memory_space<vmem>>, vector<16xf32>,
        %broadcast_in_dim3A_225 = arith.constant 1 : i32
        %broadcast_in_dim3A_226 = vector.broadcast %broadcast_in_dim3A_225 : i32 to vector<16xi32>
        %broadcast_in_dim3A_227 = arith.constant 0 : i32
        %broadcast_in_dim3A_228 = vector.broadcast %broadcast_in_dim3A_227 : i32 to vector<16xi32>
        %broadcast_in_dim3A_229 = arith.constant 1039 : i32
        %broadcast_in_dim3A_230 = vector.broadcast %broadcast_in_dim3A_229 : i32 to vector<16xi32>
        %broadcast_in_dim3A_231 = arith.constant 16 : i32
        %broadcast_in_dim3A_232 = vector.broadcast %broadcast_in_dim3A_231 : i32 to vector<16xi32>
        %iota3A = tpu.iota {dimensions = array<i32: 0>} : vector<16xi32>
        %scan3A_233 = arith.constant 0 : i32
        %scan3A_234 = arith.constant 64 : i32
        %scan3A_235 = arith.addi %scan3A_233, %scan3A_234 : i32
        %scan3A_236 = arith.constant 8 : i32
        %scan3A_237:2 = scf.for %scan3A_307 = %scan3A_233 to %scan3A_235 step %scan3A_236 iter_args(%scan3A_308 = %broadcast_in_dim3A_228, %scan3A_309 = %iota3A) -> (vector<16xi32>, vector<16xi32>)  : i32 {
          %mul3A_310 = arith.constant 1024 : i32
          %mul3A_311 = arith.muli %scan3A_220, %mul3A_310 : i32
          %mul3A_312 = arith.constant 16 : i32
          %mul3A_313 = arith.muli %scan3A_307, %mul3A_312 : i32
          %add3A_314 = arith.addi %mul3A_311, %mul3A_313 : i32
          %get3A_315 = arith.index_cast %add3A_314 : i32 to index
          %get3A_316 = tpu.vector_load %arg8[%get3A_315] {strides = array<i32>} : memref<16384xf32, #tpu.memory_space<vmem>>, vector<16xf32>,
          %le3A = arith.cmpf ole, %get3A_316, %get3A_224 : vector<16xf32>
          %select_n3A = arith.select %le3A, %broadcast_in_dim3A_226, %broadcast_in_dim3A_228 : vector<16xi1>, vector<16xi32>
          %broadcast_in_dim3A_317 = arith.constant true
          %broadcast_in_dim3A_318 = vector.broadcast %broadcast_in_dim3A_317 : i1 to vector<16xi1>
          %masked_cumsum3A = tpu.scan <sum>, %select_n3A masked %broadcast_in_dim3A_318 : vector<16xi32>, vector<16xi1> -> vector<16xi32>
          %add3A_319 = arith.addi %scan3A_308, %masked_cumsum3A : vector<16xi32>
          %sub3A = arith.constant 1 : i32
          %sub3A_320 = vector.broadcast %sub3A : i32 to vector<16xi32>
          %sub3A_321 = arith.subi %add3A_319, %sub3A_320 : vector<16xi32>
          %select_n3A_322 = arith.select %le3A, %sub3A_321, %broadcast_in_dim3A_230 : vector<16xi1>, vector<16xi32>
          tpu.vector_store_idx %arg11[%select_n3A_322], %scan3A_309 : memref<1040xi32, #tpu.memory_space<vmem>>[vector<16xi32>], vector<16xi32>,
          %all_reduce_population_count3A = tpu.all_reduce %le3A {dim = 0 : i64, kind = #tpu.reduction_kind<sum>} : vector<16xi1> -> vector<16xi32>
          %add3A_323 = arith.addi %scan3A_308, %all_reduce_population_count3A : vector<16xi32>
          %add3A_324 = arith.addi %scan3A_309, %broadcast_in_dim3A_232 : vector<16xi32>
          %scan3A_325 = arith.constant 1 : i32
          %scan3A_326 = arith.addi %scan3A_307, %scan3A_325 : i32
          %mul3A_327 = arith.constant 1024 : i32
          %mul3A_328 = arith.muli %scan3A_220, %mul3A_327 : i32
          %mul3A_329 = arith.constant 16 : i32
          %mul3A_330 = arith.muli %scan3A_326, %mul3A_329 : i32
          %add3A_331 = arith.addi %mul3A_328, %mul3A_330 : i32
          %get3A_332 = arith.index_cast %add3A_331 : i32 to index
          %get3A_333 = tpu.vector_load %arg8[%get3A_332] {strides = array<i32>} : memref<16384xf32, #tpu.memory_space<vmem>>, vector<16xf32>,
          %le3A_334 = arith.cmpf ole, %get3A_333, %get3A_224 : vector<16xf32>
          %select_n3A_335 = arith.select %le3A_334, %broadcast_in_dim3A_226, %broadcast_in_dim3A_228 : vector<16xi1>, vector<16xi32>
          %broadcast_in_dim3A_336 = arith.constant true
          %broadcast_in_dim3A_337 = vector.broadcast %broadcast_in_dim3A_336 : i1 to vector<16xi1>
          %masked_cumsum3A_338 = tpu.scan <sum>, %select_n3A_335 masked %broadcast_in_dim3A_337 : vector<16xi32>, vector<16xi1> -> vector<16xi32>
          %add3A_339 = arith.addi %add3A_323, %masked_cumsum3A_338 : vector<16xi32>
          %sub3A_340 = arith.constant 1 : i32
          %sub3A_341 = vector.broadcast %sub3A_340 : i32 to vector<16xi32>
          %sub3A_342 = arith.subi %add3A_339, %sub3A_341 : vector<16xi32>
          %select_n3A_343 = arith.select %le3A_334, %sub3A_342, %broadcast_in_dim3A_230 : vector<16xi1>, vector<16xi32>
          tpu.vector_store_idx %arg11[%select_n3A_343], %add3A_324 : memref<1040xi32, #tpu.memory_space<vmem>>[vector<16xi32>], vector<16xi32>,
          %all_reduce_population_count3A_344 = tpu.all_reduce %le3A_334 {dim = 0 : i64, kind = #tpu.reduction_kind<sum>} : vector<16xi1> -> vector<16xi32>
          %add3A_345 = arith.addi %add3A_323, %all_reduce_population_count3A_344 : vector<16xi32>
          %add3A_346 = arith.addi %add3A_324, %broadcast_in_dim3A_232 : vector<16xi32>
          %scan3A_347 = arith.constant 2 : i32
          %scan3A_348 = arith.addi %scan3A_307, %scan3A_347 : i32
          %mul3A_349 = arith.constant 1024 : i32
          %mul3A_350 = arith.muli %scan3A_220, %mul3A_349 : i32
          %mul3A_351 = arith.constant 16 : i32
          %mul3A_352 = arith.muli %scan3A_348, %mul3A_351 : i32
          %add3A_353 = arith.addi %mul3A_350, %mul3A_352 : i32
          %get3A_354 = arith.index_cast %add3A_353 : i32 to index
          %get3A_355 = tpu.vector_load %arg8[%get3A_354] {strides = array<i32>} : memref<16384xf32, #tpu.memory_space<vmem>>, vector<16xf32>,
          %le3A_356 = arith.cmpf ole, %get3A_355, %get3A_224 : vector<16xf32>
          %select_n3A_357 = arith.select %le3A_356, %broadcast_in_dim3A_226, %broadcast_in_dim3A_228 : vector<16xi1>, vector<16xi32>
          %broadcast_in_dim3A_358 = arith.constant true
          %broadcast_in_dim3A_359 = vector.broadcast %broadcast_in_dim3A_358 : i1 to vector<16xi1>
          %masked_cumsum3A_360 = tpu.scan <sum>, %select_n3A_357 masked %broadcast_in_dim3A_359 : vector<16xi32>, vector<16xi1> -> vector<16xi32>
          %add3A_361 = arith.addi %add3A_345, %masked_cumsum3A_360 : vector<16xi32>
          %sub3A_362 = arith.constant 1 : i32
          %sub3A_363 = vector.broadcast %sub3A_362 : i32 to vector<16xi32>
          %sub3A_364 = arith.subi %add3A_361, %sub3A_363 : vector<16xi32>
          %select_n3A_365 = arith.select %le3A_356, %sub3A_364, %broadcast_in_dim3A_230 : vector<16xi1>, vector<16xi32>
          tpu.vector_store_idx %arg11[%select_n3A_365], %add3A_346 : memref<1040xi32, #tpu.memory_space<vmem>>[vector<16xi32>], vector<16xi32>,
          %all_reduce_population_count3A_366 = tpu.all_reduce %le3A_356 {dim = 0 : i64, kind = #tpu.reduction_kind<sum>} : vector<16xi1> -> vector<16xi32>
          %add3A_367 = arith.addi %add3A_345, %all_reduce_population_count3A_366 : vector<16xi32>
          %add3A_368 = arith.addi %add3A_346, %broadcast_in_dim3A_232 : vector<16xi32>
          %scan3A_369 = arith.constant 3 : i32
          %scan3A_370 = arith.addi %scan3A_307, %scan3A_369 : i32
          %mul3A_371 = arith.constant 1024 : i32
          %mul3A_372 = arith.muli %scan3A_220, %mul3A_371 : i32
          %mul3A_373 = arith.constant 16 : i32
          %mul3A_374 = arith.muli %scan3A_370, %mul3A_373 : i32
          %add3A_375 = arith.addi %mul3A_372, %mul3A_374 : i32
          %get3A_376 = arith.index_cast %add3A_375 : i32 to index
          %get3A_377 = tpu.vector_load %arg8[%get3A_376] {strides = array<i32>} : memref<16384xf32, #tpu.memory_space<vmem>>, vector<16xf32>,
          %le3A_378 = arith.cmpf ole, %get3A_377, %get3A_224 : vector<16xf32>
          %select_n3A_379 = arith.select %le3A_378, %broadcast_in_dim3A_226, %broadcast_in_dim3A_228 : vector<16xi1>, vector<16xi32>
          %broadcast_in_dim3A_380 = arith.constant true
          %broadcast_in_dim3A_381 = vector.broadcast %broadcast_in_dim3A_380 : i1 to vector<16xi1>
          %masked_cumsum3A_382 = tpu.scan <sum>, %select_n3A_379 masked %broadcast_in_dim3A_381 : vector<16xi32>, vector<16xi1> -> vector<16xi32>
          %add3A_383 = arith.addi %add3A_367, %masked_cumsum3A_382 : vector<16xi32>
          %sub3A_384 = arith.constant 1 : i32
          %sub3A_385 = vector.broadcast %sub3A_384 : i32 to vector<16xi32>
          %sub3A_386 = arith.subi %add3A_383, %sub3A_385 : vector<16xi32>
          %select_n3A_387 = arith.select %le3A_378, %sub3A_386, %broadcast_in_dim3A_230 : vector<16xi1>, vector<16xi32>
          tpu.vector_store_idx %arg11[%select_n3A_387], %add3A_368 : memref<1040xi32, #tpu.memory_space<vmem>>[vector<16xi32>], vector<16xi32>,
          %all_reduce_population_count3A_388 = tpu.all_reduce %le3A_378 {dim = 0 : i64, kind = #tpu.reduction_kind<sum>} : vector<16xi1> -> vector<16xi32>
          %add3A_389 = arith.addi %add3A_367, %all_reduce_population_count3A_388 : vector<16xi32>
          %add3A_390 = arith.addi %add3A_368, %broadcast_in_dim3A_232 : vector<16xi32>
          %scan3A_391 = arith.constant 4 : i32
          %scan3A_392 = arith.addi %scan3A_307, %scan3A_391 : i32
          %mul3A_393 = arith.constant 1024 : i32
          %mul3A_394 = arith.muli %scan3A_220, %mul3A_393 : i32
          %mul3A_395 = arith.constant 16 : i32
          %mul3A_396 = arith.muli %scan3A_392, %mul3A_395 : i32
          %add3A_397 = arith.addi %mul3A_394, %mul3A_396 : i32
          %get3A_398 = arith.index_cast %add3A_397 : i32 to index
          %get3A_399 = tpu.vector_load %arg8[%get3A_398] {strides = array<i32>} : memref<16384xf32, #tpu.memory_space<vmem>>, vector<16xf32>,
          %le3A_400 = arith.cmpf ole, %get3A_399, %get3A_224 : vector<16xf32>
          %select_n3A_401 = arith.select %le3A_400, %broadcast_in_dim3A_226, %broadcast_in_dim3A_228 : vector<16xi1>, vector<16xi32>
          %broadcast_in_dim3A_402 = arith.constant true
          %broadcast_in_dim3A_403 = vector.broadcast %broadcast_in_dim3A_402 : i1 to vector<16xi1>
          %masked_cumsum3A_404 = tpu.scan <sum>, %select_n3A_401 masked %broadcast_in_dim3A_403 : vector<16xi32>, vector<16xi1> -> vector<16xi32>
          %add3A_405 = arith.addi %add3A_389, %masked_cumsum3A_404 : vector<16xi32>
          %sub3A_406 = arith.constant 1 : i32
          %sub3A_407 = vector.broadcast %sub3A_406 : i32 to vector<16xi32>
          %sub3A_408 = arith.subi %add3A_405, %sub3A_407 : vector<16xi32>
          %select_n3A_409 = arith.select %le3A_400, %sub3A_408, %broadcast_in_dim3A_230 : vector<16xi1>, vector<16xi32>
          tpu.vector_store_idx %arg11[%select_n3A_409], %add3A_390 : memref<1040xi32, #tpu.memory_space<vmem>>[vector<16xi32>], vector<16xi32>,
          %all_reduce_population_count3A_410 = tpu.all_reduce %le3A_400 {dim = 0 : i64, kind = #tpu.reduction_kind<sum>} : vector<16xi1> -> vector<16xi32>
          %add3A_411 = arith.addi %add3A_389, %all_reduce_population_count3A_410 : vector<16xi32>
          %add3A_412 = arith.addi %add3A_390, %broadcast_in_dim3A_232 : vector<16xi32>
          %scan3A_413 = arith.constant 5 : i32
          %scan3A_414 = arith.addi %scan3A_307, %scan3A_413 : i32
          %mul3A_415 = arith.constant 1024 : i32
          %mul3A_416 = arith.muli %scan3A_220, %mul3A_415 : i32
          %mul3A_417 = arith.constant 16 : i32
          %mul3A_418 = arith.muli %scan3A_414, %mul3A_417 : i32
          %add3A_419 = arith.addi %mul3A_416, %mul3A_418 : i32
          %get3A_420 = arith.index_cast %add3A_419 : i32 to index
          %get3A_421 = tpu.vector_load %arg8[%get3A_420] {strides = array<i32>} : memref<16384xf32, #tpu.memory_space<vmem>>, vector<16xf32>,
          %le3A_422 = arith.cmpf ole, %get3A_421, %get3A_224 : vector<16xf32>
          %select_n3A_423 = arith.select %le3A_422, %broadcast_in_dim3A_226, %broadcast_in_dim3A_228 : vector<16xi1>, vector<16xi32>
          %broadcast_in_dim3A_424 = arith.constant true
          %broadcast_in_dim3A_425 = vector.broadcast %broadcast_in_dim3A_424 : i1 to vector<16xi1>
          %masked_cumsum3A_426 = tpu.scan <sum>, %select_n3A_423 masked %broadcast_in_dim3A_425 : vector<16xi32>, vector<16xi1> -> vector<16xi32>
          %add3A_427 = arith.addi %add3A_411, %masked_cumsum3A_426 : vector<16xi32>
          %sub3A_428 = arith.constant 1 : i32
          %sub3A_429 = vector.broadcast %sub3A_428 : i32 to vector<16xi32>
          %sub3A_430 = arith.subi %add3A_427, %sub3A_429 : vector<16xi32>
          %select_n3A_431 = arith.select %le3A_422, %sub3A_430, %broadcast_in_dim3A_230 : vector<16xi1>, vector<16xi32>
          tpu.vector_store_idx %arg11[%select_n3A_431], %add3A_412 : memref<1040xi32, #tpu.memory_space<vmem>>[vector<16xi32>], vector<16xi32>,
          %all_reduce_population_count3A_432 = tpu.all_reduce %le3A_422 {dim = 0 : i64, kind = #tpu.reduction_kind<sum>} : vector<16xi1> -> vector<16xi32>
          %add3A_433 = arith.addi %add3A_411, %all_reduce_population_count3A_432 : vector<16xi32>
          %add3A_434 = arith.addi %add3A_412, %broadcast_in_dim3A_232 : vector<16xi32>
          %scan3A_435 = arith.constant 6 : i32
          %scan3A_436 = arith.addi %scan3A_307, %scan3A_435 : i32
          %mul3A_437 = arith.constant 1024 : i32
          %mul3A_438 = arith.muli %scan3A_220, %mul3A_437 : i32
          %mul3A_439 = arith.constant 16 : i32
          %mul3A_440 = arith.muli %scan3A_436, %mul3A_439 : i32
          %add3A_441 = arith.addi %mul3A_438, %mul3A_440 : i32
          %get3A_442 = arith.index_cast %add3A_441 : i32 to index
          %get3A_443 = tpu.vector_load %arg8[%get3A_442] {strides = array<i32>} : memref<16384xf32, #tpu.memory_space<vmem>>, vector<16xf32>,
          %le3A_444 = arith.cmpf ole, %get3A_443, %get3A_224 : vector<16xf32>
          %select_n3A_445 = arith.select %le3A_444, %broadcast_in_dim3A_226, %broadcast_in_dim3A_228 : vector<16xi1>, vector<16xi32>
          %broadcast_in_dim3A_446 = arith.constant true
          %broadcast_in_dim3A_447 = vector.broadcast %broadcast_in_dim3A_446 : i1 to vector<16xi1>
          %masked_cumsum3A_448 = tpu.scan <sum>, %select_n3A_445 masked %broadcast_in_dim3A_447 : vector<16xi32>, vector<16xi1> -> vector<16xi32>
          %add3A_449 = arith.addi %add3A_433, %masked_cumsum3A_448 : vector<16xi32>
          %sub3A_450 = arith.constant 1 : i32
          %sub3A_451 = vector.broadcast %sub3A_450 : i32 to vector<16xi32>
          %sub3A_452 = arith.subi %add3A_449, %sub3A_451 : vector<16xi32>
          %select_n3A_453 = arith.select %le3A_444, %sub3A_452, %broadcast_in_dim3A_230 : vector<16xi1>, vector<16xi32>
          tpu.vector_store_idx %arg11[%select_n3A_453], %add3A_434 : memref<1040xi32, #tpu.memory_space<vmem>>[vector<16xi32>], vector<16xi32>,
          %all_reduce_population_count3A_454 = tpu.all_reduce %le3A_444 {dim = 0 : i64, kind = #tpu.reduction_kind<sum>} : vector<16xi1> -> vector<16xi32>
          %add3A_455 = arith.addi %add3A_433, %all_reduce_population_count3A_454 : vector<16xi32>
          %add3A_456 = arith.addi %add3A_434, %broadcast_in_dim3A_232 : vector<16xi32>
          %scan3A_457 = arith.constant 7 : i32
          %scan3A_458 = arith.addi %scan3A_307, %scan3A_457 : i32
          %mul3A_459 = arith.constant 1024 : i32
          %mul3A_460 = arith.muli %scan3A_220, %mul3A_459 : i32
          %mul3A_461 = arith.constant 16 : i32
          %mul3A_462 = arith.muli %scan3A_458, %mul3A_461 : i32
          %add3A_463 = arith.addi %mul3A_460, %mul3A_462 : i32
          %get3A_464 = arith.index_cast %add3A_463 : i32 to index
          %get3A_465 = tpu.vector_load %arg8[%get3A_464] {strides = array<i32>} : memref<16384xf32, #tpu.memory_space<vmem>>, vector<16xf32>,
          %le3A_466 = arith.cmpf ole, %get3A_465, %get3A_224 : vector<16xf32>
          %select_n3A_467 = arith.select %le3A_466, %broadcast_in_dim3A_226, %broadcast_in_dim3A_228 : vector<16xi1>, vector<16xi32>
          %broadcast_in_dim3A_468 = arith.constant true
          %broadcast_in_dim3A_469 = vector.broadcast %broadcast_in_dim3A_468 : i1 to vector<16xi1>
          %masked_cumsum3A_470 = tpu.scan <sum>, %select_n3A_467 masked %broadcast_in_dim3A_469 : vector<16xi32>, vector<16xi1> -> vector<16xi32>
          %add3A_471 = arith.addi %add3A_455, %masked_cumsum3A_470 : vector<16xi32>
          %sub3A_472 = arith.constant 1 : i32
          %sub3A_473 = vector.broadcast %sub3A_472 : i32 to vector<16xi32>
          %sub3A_474 = arith.subi %add3A_471, %sub3A_473 : vector<16xi32>
          %select_n3A_475 = arith.select %le3A_466, %sub3A_474, %broadcast_in_dim3A_230 : vector<16xi1>, vector<16xi32>
          tpu.vector_store_idx %arg11[%select_n3A_475], %add3A_456 : memref<1040xi32, #tpu.memory_space<vmem>>[vector<16xi32>], vector<16xi32>,
          %all_reduce_population_count3A_476 = tpu.all_reduce %le3A_466 {dim = 0 : i64, kind = #tpu.reduction_kind<sum>} : vector<16xi1> -> vector<16xi32>
          %add3A_477 = arith.addi %add3A_455, %all_reduce_population_count3A_476 : vector<16xi32>
          %add3A_478 = arith.addi %add3A_456, %broadcast_in_dim3A_232 : vector<16xi32>
          scf.yield %add3A_477, %add3A_478 : vector<16xi32>, vector<16xi32>
        }
        %scan3A_238 = arith.constant 64 : i32
        %get3A_239 = arith.constant 0 : index
        %get3A_240 = tpu.vector_load %arg15[%get3A_239] {strides = array<i32>} : memref<16xi32, #tpu.memory_space<vmem>>, vector<16xi32>,
        %get3A_241 = arith.constant 0 : index
        %get3A_242 = tpu.vector_load %arg11[%get3A_241] {strides = array<i32>} : memref<1040xi32, #tpu.memory_space<vmem>>, vector<16xi32>,
        %add3A_243 = arith.addi %get3A_242, %scan3A_221 : vector<16xi32>
        %gather3A = tpu.vector_load_idx %arg8[%add3A_243] : memref<16384xf32, #tpu.memory_space<vmem>>[vector<16xi32>], vector<16xf32>,
        %mul3A_244 = arith.constant 64 : i32
        %mul3A_245 = arith.muli %scan3A_220, %mul3A_244 : i32
        %add3A_246 = arith.constant 0 : i32
        %add3A_247 = arith.addi %mul3A_245, %add3A_246 : i32
        %swap3A = arith.index_cast %add3A_247 : i32 to index
        %swap3A_248 = tpu.vector_load %arg13[%swap3A] {strides = array<i32>} : memref<1024xf32, #tpu.memory_space<vmem>>, vector<16xf32>,
        tpu.vector_store %arg13[%swap3A], %gather3A {strides = array<i32>} : memref<1024xf32, #tpu.memory_space<vmem>>, vector<16xf32>,
        %add3A_249 = arith.addi %get3A_242, %get3A_240 : vector<16xi32>
        %swap3A_250 = arith.index_cast %scan3A_220 : i32 to index
        %swap3A_251 = arith.constant 0 : index
        %swap3A_252 = tpu.vector_load %arg12[%swap3A_250, %swap3A_251] {strides = array<i32>} : memref<16x64xi32, #tpu.memory_space<vmem>>, vector<16xi32>,
        tpu.vector_store %arg12[%swap3A_250, %swap3A_251], %add3A_249 {strides = array<i32>} : memref<16x64xi32, #tpu.memory_space<vmem>>, vector<16xi32>,
        %get3A_253 = arith.constant 16 : index
        %get3A_254 = tpu.vector_load %arg11[%get3A_253] {strides = array<i32>} : memref<1040xi32, #tpu.memory_space<vmem>>, vector<16xi32>,
        %add3A_255 = arith.addi %get3A_254, %scan3A_221 : vector<16xi32>
        %gather3A_256 = tpu.vector_load_idx %arg8[%add3A_255] : memref<16384xf32, #tpu.memory_space<vmem>>[vector<16xi32>], vector<16xf32>,
        %mul3A_257 = arith.constant 64 : i32
        %mul3A_258 = arith.muli %scan3A_220, %mul3A_257 : i32
        %add3A_259 = arith.constant 16 : i32
        %add3A_260 = arith.addi %mul3A_258, %add3A_259 : i32
        %swap3A_261 = arith.index_cast %add3A_260 : i32 to index
        %swap3A_262 = tpu.vector_load %arg13[%swap3A_261] {strides = array<i32>} : memref<1024xf32, #tpu.memory_space<vmem>>, vector<16xf32>,
        tpu.vector_store %arg13[%swap3A_261], %gather3A_256 {strides = array<i32>} : memref<1024xf32, #tpu.memory_space<vmem>>, vector<16xf32>,
        %add3A_263 = arith.addi %get3A_254, %get3A_240 : vector<16xi32>
        %swap3A_264 = arith.index_cast %scan3A_220 : i32 to index
        %swap3A_265 = arith.constant 16 : index
        %swap3A_266 = tpu.vector_load %arg12[%swap3A_264, %swap3A_265] {strides = array<i32>} : memref<16x64xi32, #tpu.memory_space<vmem>>, vector<16xi32>,
        tpu.vector_store %arg12[%swap3A_264, %swap3A_265], %add3A_263 {strides = array<i32>} : memref<16x64xi32, #tpu.memory_space<vmem>>, vector<16xi32>,
        %get3A_267 = arith.constant 32 : index
        %get3A_268 = tpu.vector_load %arg11[%get3A_267] {strides = array<i32>} : memref<1040xi32, #tpu.memory_space<vmem>>, vector<16xi32>,
        %add3A_269 = arith.addi %get3A_268, %scan3A_221 : vector<16xi32>
        %gather3A_270 = tpu.vector_load_idx %arg8[%add3A_269] : memref<16384xf32, #tpu.memory_space<vmem>>[vector<16xi32>], vector<16xf32>,
        %mul3A_271 = arith.constant 64 : i32
        %mul3A_272 = arith.muli %scan3A_220, %mul3A_271 : i32
        %add3A_273 = arith.constant 32 : i32
        %add3A_274 = arith.addi %mul3A_272, %add3A_273 : i32
        %swap3A_275 = arith.index_cast %add3A_274 : i32 to index
        %swap3A_276 = tpu.vector_load %arg13[%swap3A_275] {strides = array<i32>} : memref<1024xf32, #tpu.memory_space<vmem>>, vector<16xf32>,
        tpu.vector_store %arg13[%swap3A_275], %gather3A_270 {strides = array<i32>} : memref<1024xf32, #tpu.memory_space<vmem>>, vector<16xf32>,
        %add3A_277 = arith.addi %get3A_268, %get3A_240 : vector<16xi32>
        %swap3A_278 = arith.index_cast %scan3A_220 : i32 to index
        %swap3A_279 = arith.constant 32 : index
        %swap3A_280 = tpu.vector_load %arg12[%swap3A_278, %swap3A_279] {strides = array<i32>} : memref<16x64xi32, #tpu.memory_space<vmem>>, vector<16xi32>,
        tpu.vector_store %arg12[%swap3A_278, %swap3A_279], %add3A_277 {strides = array<i32>} : memref<16x64xi32, #tpu.memory_space<vmem>>, vector<16xi32>,
        %get3A_281 = arith.constant 48 : index
        %get3A_282 = tpu.vector_load %arg11[%get3A_281] {strides = array<i32>} : memref<1040xi32, #tpu.memory_space<vmem>>, vector<16xi32>,
        %add3A_283 = arith.addi %get3A_282, %scan3A_221 : vector<16xi32>
        %gather3A_284 = tpu.vector_load_idx %arg8[%add3A_283] : memref<16384xf32, #tpu.memory_space<vmem>>[vector<16xi32>], vector<16xf32>,
        %mul3A_285 = arith.constant 64 : i32
        %mul3A_286 = arith.muli %scan3A_220, %mul3A_285 : i32
        %add3A_287 = arith.constant 48 : i32
        %add3A_288 = arith.addi %mul3A_286, %add3A_287 : i32
        %swap3A_289 = arith.index_cast %add3A_288 : i32 to index
        %swap3A_290 = tpu.vector_load %arg13[%swap3A_289] {strides = array<i32>} : memref<1024xf32, #tpu.memory_space<vmem>>, vector<16xf32>,
        tpu.vector_store %arg13[%swap3A_289], %gather3A_284 {strides = array<i32>} : memref<1024xf32, #tpu.memory_space<vmem>>, vector<16xf32>,
        %add3A_291 = arith.addi %get3A_282, %get3A_240 : vector<16xi32>
        %swap3A_292 = arith.index_cast %scan3A_220 : i32 to index
        %swap3A_293 = arith.constant 48 : index
        %swap3A_294 = tpu.vector_load %arg12[%swap3A_292, %swap3A_293] {strides = array<i32>} : memref<16x64xi32, #tpu.memory_space<vmem>>, vector<16xi32>,
        tpu.vector_store %arg12[%swap3A_292, %swap3A_293], %add3A_291 {strides = array<i32>} : memref<16x64xi32, #tpu.memory_space<vmem>>, vector<16xi32>,
        %mul3A_295 = arith.constant 64 : i32
        %mul3A_296 = arith.muli %scan3A_220, %mul3A_295 : i32
        %dma_start3A = arith.constant 0 : i32
        %dma_start3A_297 = tpu.memref_slice %arg14[%mul3A_296, %dma_start3A] : memref<1024x16xf32, #tpu.memory_space<vmem>> -> memref<64x16xf32, #tpu.memory_space<vmem>>
        %dma_start3A_298 = arith.constant 0 : i32
        %dma_start3A_299 = tpu.memref_slice %arg12[%scan3A_220, %dma_start3A_298] : memref<16x64xi32, #tpu.memory_space<vmem>> -> memref<1x64xi32, #tpu.memory_space<vmem>>
        %dma_start3A_300 = tpu.memref_squeeze %dma_start3A_299 : memref<1x64xi32, #tpu.memory_space<vmem>> -> memref<64xi32, #tpu.memory_space<vmem>>
        %dma_start3A_301 = arith.constant 0 : i32
        %dma_start3A_302 = arith.constant 0 : i32
        %dma_start3A_303 = tpu.memref_slice %arg4[%dma_start3A_301, %dma_start3A_302] : memref<16384x16xf32, #tpu.memory_space<hbm>> -> memref<16384x16xf32, #tpu.memory_space<hbm>>
        tpu.enqueue_indirect_dma source(%dma_start3A_303 : memref<16384x16xf32, #tpu.memory_space<hbm>>) target(%dma_start3A_297 : memref<64x16xf32, #tpu.memory_space<vmem>>) offsets(%dma_start3A_300 : memref<64xi32, #tpu.memory_space<vmem>>) semaphore(%arg16 : memref<!tpu.dma_semaphore, #tpu.memory_space<semaphore_mem>>)
        %broadcast_in_dim3A_304 = arith.constant 1024 : i32
        %broadcast_in_dim3A_305 = vector.broadcast %broadcast_in_dim3A_304 : i32 to vector<16xi32>
        %add3A_306 = arith.addi %scan3A_221, %broadcast_in_dim3A_305 : vector<16xi32>
        scf.yield %add3A_306 : vector<16xi32>
      }
      %scan3A_24 = arith.constant 16 : i32
      %dma_wait3A = arith.constant 0 : i32
      %dma_wait3A_25 = arith.constant 0 : i32
      %dma_wait3A_26 = tpu.memref_slice %arg14[%dma_wait3A, %dma_wait3A_25] : memref<1024x16xf32, #tpu.memory_space<vmem>> -> memref<64x16xf32, #tpu.memory_space<vmem>>
      %dma_wait3A_27 = arith.constant 0 : i32
      %dma_wait3A_28 = arith.constant 0 : i32
      %dma_wait3A_29 = tpu.memref_slice %arg4[%dma_wait3A_27, %dma_wait3A_28] : memref<16384x16xf32, #tpu.memory_space<hbm>> -> memref<64x16xf32, #tpu.memory_space<hbm>>
      %dma_wait3A_30 = arith.constant 0 : i32
      %dma_wait3A_31 = arith.constant 0 : i32
      %dma_wait3A_32 = tpu.memref_slice %arg14[%dma_wait3A_30, %dma_wait3A_31] : memref<1024x16xf32, #tpu.memory_space<vmem>> -> memref<64x16xf32, #tpu.memory_space<vmem>>
      %dma_wait3A_33 = arith.constant 0 : i32
      %dma_wait3A_34 = arith.constant 0 : i32
      %dma_wait3A_35 = tpu.memref_slice %arg4[%dma_wait3A_33, %dma_wait3A_34] : memref<16384x16xf32, #tpu.memory_space<hbm>> -> memref<64x16xf32, #tpu.memory_space<hbm>>
      tpu.wait_dma2 semaphore(%arg16 : memref<!tpu.dma_semaphore, #tpu.memory_space<semaphore_mem>>) src(%dma_wait3A_35 : memref<64x16xf32, #tpu.memory_space<hbm>>) dst(%dma_wait3A_32 : memref<64x16xf32, #tpu.memory_space<vmem>>)
      %dma_wait3A_36 = arith.constant 0 : i32
      %dma_wait3A_37 = arith.constant 0 : i32
      %dma_wait3A_38 = tpu.memref_slice %arg14[%dma_wait3A_36, %dma_wait3A_37] : memref<1024x16xf32, #tpu.memory_space<vmem>> -> memref<64x16xf32, #tpu.memory_space<vmem>>
      %dma_wait3A_39 = arith.constant 0 : i32
      %dma_wait3A_40 = arith.constant 0 : i32
      %dma_wait3A_41 = tpu.memref_slice %arg4[%dma_wait3A_39, %dma_wait3A_40] : memref<16384x16xf32, #tpu.memory_space<hbm>> -> memref<64x16xf32, #tpu.memory_space<hbm>>
      %dma_wait3A_42 = arith.constant 0 : i32
      %dma_wait3A_43 = arith.constant 0 : i32
      %dma_wait3A_44 = tpu.memref_slice %arg14[%dma_wait3A_42, %dma_wait3A_43] : memref<1024x16xf32, #tpu.memory_space<vmem>> -> memref<64x16xf32, #tpu.memory_space<vmem>>
      %dma_wait3A_45 = arith.constant 0 : i32
      %dma_wait3A_46 = arith.constant 0 : i32
      %dma_wait3A_47 = tpu.memref_slice %arg4[%dma_wait3A_45, %dma_wait3A_46] : memref<16384x16xf32, #tpu.memory_space<hbm>> -> memref<64x16xf32, #tpu.memory_space<hbm>>
      tpu.wait_dma2 semaphore(%arg16 : memref<!tpu.dma_semaphore, #tpu.memory_space<semaphore_mem>>) src(%dma_wait3A_47 : memref<64x16xf32, #tpu.memory_space<hbm>>) dst(%dma_wait3A_44 : memref<64x16xf32, #tpu.memory_space<vmem>>)
      %dma_wait3A_48 = arith.constant 0 : i32
      %dma_wait3A_49 = arith.constant 0 : i32
      %dma_wait3A_50 = tpu.memref_slice %arg14[%dma_wait3A_48, %dma_wait3A_49] : memref<1024x16xf32, #tpu.memory_space<vmem>> -> memref<64x16xf32, #tpu.memory_space<vmem>>
      %dma_wait3A_51 = arith.constant 0 : i32
      %dma_wait3A_52 = arith.constant 0 : i32
      %dma_wait3A_53 = tpu.memref_slice %arg4[%dma_wait3A_51, %dma_wait3A_52] : memref<16384x16xf32, #tpu.memory_space<hbm>> -> memref<64x16xf32, #tpu.memory_space<hbm>>
      %dma_wait3A_54 = arith.constant 0 : i32
      %dma_wait3A_55 = arith.constant 0 : i32
      %dma_wait3A_56 = tpu.memref_slice %arg14[%dma_wait3A_54, %dma_wait3A_55] : memref<1024x16xf32, #tpu.memory_space<vmem>> -> memref<64x16xf32, #tpu.memory_space<vmem>>
      %dma_wait3A_57 = arith.constant 0 : i32
      %dma_wait3A_58 = arith.constant 0 : i32
      %dma_wait3A_59 = tpu.memref_slice %arg4[%dma_wait3A_57, %dma_wait3A_58] : memref<16384x16xf32, #tpu.memory_space<hbm>> -> memref<64x16xf32, #tpu.memory_space<hbm>>
      tpu.wait_dma2 semaphore(%arg16 : memref<!tpu.dma_semaphore, #tpu.memory_space<semaphore_mem>>) src(%dma_wait3A_59 : memref<64x16xf32, #tpu.memory_space<hbm>>) dst(%dma_wait3A_56 : memref<64x16xf32, #tpu.memory_space<vmem>>)
      %dma_wait3A_60 = arith.constant 0 : i32
      %dma_wait3A_61 = arith.constant 0 : i32
      %dma_wait3A_62 = tpu.memref_slice %arg14[%dma_wait3A_60, %dma_wait3A_61] : memref<1024x16xf32, #tpu.memory_space<vmem>> -> memref<64x16xf32, #tpu.memory_space<vmem>>
      %dma_wait3A_63 = arith.constant 0 : i32
      %dma_wait3A_64 = arith.constant 0 : i32
      %dma_wait3A_65 = tpu.memref_slice %arg4[%dma_wait3A_63, %dma_wait3A_64] : memref<16384x16xf32, #tpu.memory_space<hbm>> -> memref<64x16xf32, #tpu.memory_space<hbm>>
      %dma_wait3A_66 = arith.constant 0 : i32
      %dma_wait3A_67 = arith.constant 0 : i32
      %dma_wait3A_68 = tpu.memref_slice %arg14[%dma_wait3A_66, %dma_wait3A_67] : memref<1024x16xf32, #tpu.memory_space<vmem>> -> memref<64x16xf32, #tpu.memory_space<vmem>>
      %dma_wait3A_69 = arith.constant 0 : i32
      %dma_wait3A_70 = arith.constant 0 : i32
      %dma_wait3A_71 = tpu.memref_slice %arg4[%dma_wait3A_69, %dma_wait3A_70] : memref<16384x16xf32, #tpu.memory_space<hbm>> -> memref<64x16xf32, #tpu.memory_space<hbm>>
      tpu.wait_dma2 semaphore(%arg16 : memref<!tpu.dma_semaphore, #tpu.memory_space<semaphore_mem>>) src(%dma_wait3A_71 : memref<64x16xf32, #tpu.memory_space<hbm>>) dst(%dma_wait3A_68 : memref<64x16xf32, #tpu.memory_space<vmem>>)
      %dma_wait3A_72 = arith.constant 0 : i32
      %dma_wait3A_73 = arith.constant 0 : i32
      %dma_wait3A_74 = tpu.memref_slice %arg14[%dma_wait3A_72, %dma_wait3A_73] : memref<1024x16xf32, #tpu.memory_space<vmem>> -> memref<64x16xf32, #tpu.memory_space<vmem>>
      %dma_wait3A_75 = arith.constant 0 : i32
      %dma_wait3A_76 = arith.constant 0 : i32
      %dma_wait3A_77 = tpu.memref_slice %arg4[%dma_wait3A_75, %dma_wait3A_76] : memref<16384x16xf32, #tpu.memory_space<hbm>> -> memref<64x16xf32, #tpu.memory_space<hbm>>
      %dma_wait3A_78 = arith.constant 0 : i32
      %dma_wait3A_79 = arith.constant 0 : i32
      %dma_wait3A_80 = tpu.memref_slice %arg14[%dma_wait3A_78, %dma_wait3A_79] : memref<1024x16xf32, #tpu.memory_space<vmem>> -> memref<64x16xf32, #tpu.memory_space<vmem>>
      %dma_wait3A_81 = arith.constant 0 : i32
      %dma_wait3A_82 = arith.constant 0 : i32
      %dma_wait3A_83 = tpu.memref_slice %arg4[%dma_wait3A_81, %dma_wait3A_82] : memref<16384x16xf32, #tpu.memory_space<hbm>> -> memref<64x16xf32, #tpu.memory_space<hbm>>
      tpu.wait_dma2 semaphore(%arg16 : memref<!tpu.dma_semaphore, #tpu.memory_space<semaphore_mem>>) src(%dma_wait3A_83 : memref<64x16xf32, #tpu.memory_space<hbm>>) dst(%dma_wait3A_80 : memref<64x16xf32, #tpu.memory_space<vmem>>)
      %dma_wait3A_84 = arith.constant 0 : i32
      %dma_wait3A_85 = arith.constant 0 : i32
      %dma_wait3A_86 = tpu.memref_slice %arg14[%dma_wait3A_84, %dma_wait3A_85] : memref<1024x16xf32, #tpu.memory_space<vmem>> -> memref<64x16xf32, #tpu.memory_space<vmem>>
      %dma_wait3A_87 = arith.constant 0 : i32
      %dma_wait3A_88 = arith.constant 0 : i32
      %dma_wait3A_89 = tpu.memref_slice %arg4[%dma_wait3A_87, %dma_wait3A_88] : memref<16384x16xf32, #tpu.memory_space<hbm>> -> memref<64x16xf32, #tpu.memory_space<hbm>>
      %dma_wait3A_90 = arith.constant 0 : i32
      %dma_wait3A_91 = arith.constant 0 : i32
      %dma_wait3A_92 = tpu.memref_slice %arg14[%dma_wait3A_90, %dma_wait3A_91] : memref<1024x16xf32, #tpu.memory_space<vmem>> -> memref<64x16xf32, #tpu.memory_space<vmem>>
      %dma_wait3A_93 = arith.constant 0 : i32
      %dma_wait3A_94 = arith.constant 0 : i32
      %dma_wait3A_95 = tpu.memref_slice %arg4[%dma_wait3A_93, %dma_wait3A_94] : memref<16384x16xf32, #tpu.memory_space<hbm>> -> memref<64x16xf32, #tpu.memory_space<hbm>>
      tpu.wait_dma2 semaphore(%arg16 : memref<!tpu.dma_semaphore, #tpu.memory_space<semaphore_mem>>) src(%dma_wait3A_95 : memref<64x16xf32, #tpu.memory_space<hbm>>) dst(%dma_wait3A_92 : memref<64x16xf32, #tpu.memory_space<vmem>>)
      %dma_wait3A_96 = arith.constant 0 : i32
      %dma_wait3A_97 = arith.constant 0 : i32
      %dma_wait3A_98 = tpu.memref_slice %arg14[%dma_wait3A_96, %dma_wait3A_97] : memref<1024x16xf32, #tpu.memory_space<vmem>> -> memref<64x16xf32, #tpu.memory_space<vmem>>
      %dma_wait3A_99 = arith.constant 0 : i32
      %dma_wait3A_100 = arith.constant 0 : i32
      %dma_wait3A_101 = tpu.memref_slice %arg4[%dma_wait3A_99, %dma_wait3A_100] : memref<16384x16xf32, #tpu.memory_space<hbm>> -> memref<64x16xf32, #tpu.memory_space<hbm>>
      %dma_wait3A_102 = arith.constant 0 : i32
      %dma_wait3A_103 = arith.constant 0 : i32
      %dma_wait3A_104 = tpu.memref_slice %arg14[%dma_wait3A_102, %dma_wait3A_103] : memref<1024x16xf32, #tpu.memory_space<vmem>> -> memref<64x16xf32, #tpu.memory_space<vmem>>
      %dma_wait3A_105 = arith.constant 0 : i32
      %dma_wait3A_106 = arith.constant 0 : i32
      %dma_wait3A_107 = tpu.memref_slice %arg4[%dma_wait3A_105, %dma_wait3A_106] : memref<16384x16xf32, #tpu.memory_space<hbm>> -> memref<64x16xf32, #tpu.memory_space<hbm>>
      tpu.wait_dma2 semaphore(%arg16 : memref<!tpu.dma_semaphore, #tpu.memory_space<semaphore_mem>>) src(%dma_wait3A_107 : memref<64x16xf32, #tpu.memory_space<hbm>>) dst(%dma_wait3A_104 : memref<64x16xf32, #tpu.memory_space<vmem>>)
      %dma_wait3A_108 = arith.constant 0 : i32
      %dma_wait3A_109 = arith.constant 0 : i32
      %dma_wait3A_110 = tpu.memref_slice %arg14[%dma_wait3A_108, %dma_wait3A_109] : memref<1024x16xf32, #tpu.memory_space<vmem>> -> memref<64x16xf32, #tpu.memory_space<vmem>>
      %dma_wait3A_111 = arith.constant 0 : i32
      %dma_wait3A_112 = arith.constant 0 : i32
      %dma_wait3A_113 = tpu.memref_slice %arg4[%dma_wait3A_111, %dma_wait3A_112] : memref<16384x16xf32, #tpu.memory_space<hbm>> -> memref<64x16xf32, #tpu.memory_space<hbm>>
      %dma_wait3A_114 = arith.constant 0 : i32
      %dma_wait3A_115 = arith.constant 0 : i32
      %dma_wait3A_116 = tpu.memref_slice %arg14[%dma_wait3A_114, %dma_wait3A_115] : memref<1024x16xf32, #tpu.memory_space<vmem>> -> memref<64x16xf32, #tpu.memory_space<vmem>>
      %dma_wait3A_117 = arith.constant 0 : i32
      %dma_wait3A_118 = arith.constant 0 : i32
      %dma_wait3A_119 = tpu.memref_slice %arg4[%dma_wait3A_117, %dma_wait3A_118] : memref<16384x16xf32, #tpu.memory_space<hbm>> -> memref<64x16xf32, #tpu.memory_space<hbm>>
      tpu.wait_dma2 semaphore(%arg16 : memref<!tpu.dma_semaphore, #tpu.memory_space<semaphore_mem>>) src(%dma_wait3A_119 : memref<64x16xf32, #tpu.memory_space<hbm>>) dst(%dma_wait3A_116 : memref<64x16xf32, #tpu.memory_space<vmem>>)
      %dma_wait3A_120 = arith.constant 0 : i32
      %dma_wait3A_121 = arith.constant 0 : i32
      %dma_wait3A_122 = tpu.memref_slice %arg14[%dma_wait3A_120, %dma_wait3A_121] : memref<1024x16xf32, #tpu.memory_space<vmem>> -> memref<64x16xf32, #tpu.memory_space<vmem>>
      %dma_wait3A_123 = arith.constant 0 : i32
      %dma_wait3A_124 = arith.constant 0 : i32
      %dma_wait3A_125 = tpu.memref_slice %arg4[%dma_wait3A_123, %dma_wait3A_124] : memref<16384x16xf32, #tpu.memory_space<hbm>> -> memref<64x16xf32, #tpu.memory_space<hbm>>
      %dma_wait3A_126 = arith.constant 0 : i32
      %dma_wait3A_127 = arith.constant 0 : i32
      %dma_wait3A_128 = tpu.memref_slice %arg14[%dma_wait3A_126, %dma_wait3A_127] : memref<1024x16xf32, #tpu.memory_space<vmem>> -> memref<64x16xf32, #tpu.memory_space<vmem>>
      %dma_wait3A_129 = arith.constant 0 : i32
      %dma_wait3A_130 = arith.constant 0 : i32
      %dma_wait3A_131 = tpu.memref_slice %arg4[%dma_wait3A_129, %dma_wait3A_130] : memref<16384x16xf32, #tpu.memory_space<hbm>> -> memref<64x16xf32, #tpu.memory_space<hbm>>
      tpu.wait_dma2 semaphore(%arg16 : memref<!tpu.dma_semaphore, #tpu.memory_space<semaphore_mem>>) src(%dma_wait3A_131 : memref<64x16xf32, #tpu.memory_space<hbm>>) dst(%dma_wait3A_128 : memref<64x16xf32, #tpu.memory_space<vmem>>)
      %dma_wait3A_132 = arith.constant 0 : i32
      %dma_wait3A_133 = arith.constant 0 : i32
      %dma_wait3A_134 = tpu.memref_slice %arg14[%dma_wait3A_132, %dma_wait3A_133] : memref<1024x16xf32, #tpu.memory_space<vmem>> -> memref<64x16xf32, #tpu.memory_space<vmem>>
      %dma_wait3A_135 = arith.constant 0 : i32
      %dma_wait3A_136 = arith.constant 0 : i32
      %dma_wait3A_137 = tpu.memref_slice %arg4[%dma_wait3A_135, %dma_wait3A_136] : memref<16384x16xf32, #tpu.memory_space<hbm>> -> memref<64x16xf32, #tpu.memory_space<hbm>>
      %dma_wait3A_138 = arith.constant 0 : i32
      %dma_wait3A_139 = arith.constant 0 : i32
      %dma_wait3A_140 = tpu.memref_slice %arg14[%dma_wait3A_138, %dma_wait3A_139] : memref<1024x16xf32, #tpu.memory_space<vmem>> -> memref<64x16xf32, #tpu.memory_space<vmem>>
      %dma_wait3A_141 = arith.constant 0 : i32
      %dma_wait3A_142 = arith.constant 0 : i32
      %dma_wait3A_143 = tpu.memref_slice %arg4[%dma_wait3A_141, %dma_wait3A_142] : memref<16384x16xf32, #tpu.memory_space<hbm>> -> memref<64x16xf32, #tpu.memory_space<hbm>>
      tpu.wait_dma2 semaphore(%arg16 : memref<!tpu.dma_semaphore, #tpu.memory_space<semaphore_mem>>) src(%dma_wait3A_143 : memref<64x16xf32, #tpu.memory_space<hbm>>) dst(%dma_wait3A_140 : memref<64x16xf32, #tpu.memory_space<vmem>>)
      %dma_wait3A_144 = arith.constant 0 : i32
      %dma_wait3A_145 = arith.constant 0 : i32
      %dma_wait3A_146 = tpu.memref_slice %arg14[%dma_wait3A_144, %dma_wait3A_145] : memref<1024x16xf32, #tpu.memory_space<vmem>> -> memref<64x16xf32, #tpu.memory_space<vmem>>
      %dma_wait3A_147 = arith.constant 0 : i32
      %dma_wait3A_148 = arith.constant 0 : i32
      %dma_wait3A_149 = tpu.memref_slice %arg4[%dma_wait3A_147, %dma_wait3A_148] : memref<16384x16xf32, #tpu.memory_space<hbm>> -> memref<64x16xf32, #tpu.memory_space<hbm>>
      %dma_wait3A_150 = arith.constant 0 : i32
      %dma_wait3A_151 = arith.constant 0 : i32
      %dma_wait3A_152 = tpu.memref_slice %arg14[%dma_wait3A_150, %dma_wait3A_151] : memref<1024x16xf32, #tpu.memory_space<vmem>> -> memref<64x16xf32, #tpu.memory_space<vmem>>
      %dma_wait3A_153 = arith.constant 0 : i32
      %dma_wait3A_154 = arith.constant 0 : i32
      %dma_wait3A_155 = tpu.memref_slice %arg4[%dma_wait3A_153, %dma_wait3A_154] : memref<16384x16xf32, #tpu.memory_space<hbm>> -> memref<64x16xf32, #tpu.memory_space<hbm>>
      tpu.wait_dma2 semaphore(%arg16 : memref<!tpu.dma_semaphore, #tpu.memory_space<semaphore_mem>>) src(%dma_wait3A_155 : memref<64x16xf32, #tpu.memory_space<hbm>>) dst(%dma_wait3A_152 : memref<64x16xf32, #tpu.memory_space<vmem>>)
      %dma_wait3A_156 = arith.constant 0 : i32
      %dma_wait3A_157 = arith.constant 0 : i32
      %dma_wait3A_158 = tpu.memref_slice %arg14[%dma_wait3A_156, %dma_wait3A_157] : memref<1024x16xf32, #tpu.memory_space<vmem>> -> memref<64x16xf32, #tpu.memory_space<vmem>>
      %dma_wait3A_159 = arith.constant 0 : i32
      %dma_wait3A_160 = arith.constant 0 : i32
      %dma_wait3A_161 = tpu.memref_slice %arg4[%dma_wait3A_159, %dma_wait3A_160] : memref<16384x16xf32, #tpu.memory_space<hbm>> -> memref<64x16xf32, #tpu.memory_space<hbm>>
      %dma_wait3A_162 = arith.constant 0 : i32
      %dma_wait3A_163 = arith.constant 0 : i32
      %dma_wait3A_164 = tpu.memref_slice %arg14[%dma_wait3A_162, %dma_wait3A_163] : memref<1024x16xf32, #tpu.memory_space<vmem>> -> memref<64x16xf32, #tpu.memory_space<vmem>>
      %dma_wait3A_165 = arith.constant 0 : i32
      %dma_wait3A_166 = arith.constant 0 : i32
      %dma_wait3A_167 = tpu.memref_slice %arg4[%dma_wait3A_165, %dma_wait3A_166] : memref<16384x16xf32, #tpu.memory_space<hbm>> -> memref<64x16xf32, #tpu.memory_space<hbm>>
      tpu.wait_dma2 semaphore(%arg16 : memref<!tpu.dma_semaphore, #tpu.memory_space<semaphore_mem>>) src(%dma_wait3A_167 : memref<64x16xf32, #tpu.memory_space<hbm>>) dst(%dma_wait3A_164 : memref<64x16xf32, #tpu.memory_space<vmem>>)
      %dma_wait3A_168 = arith.constant 0 : i32
      %dma_wait3A_169 = arith.constant 0 : i32
      %dma_wait3A_170 = tpu.memref_slice %arg14[%dma_wait3A_168, %dma_wait3A_169] : memref<1024x16xf32, #tpu.memory_space<vmem>> -> memref<64x16xf32, #tpu.memory_space<vmem>>
      %dma_wait3A_171 = arith.constant 0 : i32
      %dma_wait3A_172 = arith.constant 0 : i32
      %dma_wait3A_173 = tpu.memref_slice %arg4[%dma_wait3A_171, %dma_wait3A_172] : memref<16384x16xf32, #tpu.memory_space<hbm>> -> memref<64x16xf32, #tpu.memory_space<hbm>>
      %dma_wait3A_174 = arith.constant 0 : i32
      %dma_wait3A_175 = arith.constant 0 : i32
      %dma_wait3A_176 = tpu.memref_slice %arg14[%dma_wait3A_174, %dma_wait3A_175] : memref<1024x16xf32, #tpu.memory_space<vmem>> -> memref<64x16xf32, #tpu.memory_space<vmem>>
      %dma_wait3A_177 = arith.constant 0 : i32
      %dma_wait3A_178 = arith.constant 0 : i32
      %dma_wait3A_179 = tpu.memref_slice %arg4[%dma_wait3A_177, %dma_wait3A_178] : memref<16384x16xf32, #tpu.memory_space<hbm>> -> memref<64x16xf32, #tpu.memory_space<hbm>>
      tpu.wait_dma2 semaphore(%arg16 : memref<!tpu.dma_semaphore, #tpu.memory_space<semaphore_mem>>) src(%dma_wait3A_179 : memref<64x16xf32, #tpu.memory_space<hbm>>) dst(%dma_wait3A_176 : memref<64x16xf32, #tpu.memory_space<vmem>>)
      %dma_wait3A_180 = arith.constant 0 : i32
      %dma_wait3A_181 = arith.constant 0 : i32
      %dma_wait3A_182 = tpu.memref_slice %arg14[%dma_wait3A_180, %dma_wait3A_181] : memref<1024x16xf32, #tpu.memory_space<vmem>> -> memref<64x16xf32, #tpu.memory_space<vmem>>
      %dma_wait3A_183 = arith.constant 0 : i32
      %dma_wait3A_184 = arith.constant 0 : i32
      %dma_wait3A_185 = tpu.memref_slice %arg4[%dma_wait3A_183, %dma_wait3A_184] : memref<16384x16xf32, #tpu.memory_space<hbm>> -> memref<64x16xf32, #tpu.memory_space<hbm>>
      %dma_wait3A_186 = arith.constant 0 : i32
      %dma_wait3A_187 = arith.constant 0 : i32
      %dma_wait3A_188 = tpu.memref_slice %arg14[%dma_wait3A_186, %dma_wait3A_187] : memref<1024x16xf32, #tpu.memory_space<vmem>> -> memref<64x16xf32, #tpu.memory_space<vmem>>
      %dma_wait3A_189 = arith.constant 0 : i32
      %dma_wait3A_190 = arith.constant 0 : i32
      %dma_wait3A_191 = tpu.memref_slice %arg4[%dma_wait3A_189, %dma_wait3A_190] : memref<16384x16xf32, #tpu.memory_space<hbm>> -> memref<64x16xf32, #tpu.memory_space<hbm>>
      tpu.wait_dma2 semaphore(%arg16 : memref<!tpu.dma_semaphore, #tpu.memory_space<semaphore_mem>>) src(%dma_wait3A_191 : memref<64x16xf32, #tpu.memory_space<hbm>>) dst(%dma_wait3A_188 : memref<64x16xf32, #tpu.memory_space<vmem>>)
      %dma_wait3A_192 = arith.constant 0 : i32
      %dma_wait3A_193 = arith.constant 0 : i32
      %dma_wait3A_194 = tpu.memref_slice %arg14[%dma_wait3A_192, %dma_wait3A_193] : memref<1024x16xf32, #tpu.memory_space<vmem>> -> memref<64x16xf32, #tpu.memory_space<vmem>>
      %dma_wait3A_195 = arith.constant 0 : i32
      %dma_wait3A_196 = arith.constant 0 : i32
      %dma_wait3A_197 = tpu.memref_slice %arg4[%dma_wait3A_195, %dma_wait3A_196] : memref<16384x16xf32, #tpu.memory_space<hbm>> -> memref<64x16xf32, #tpu.memory_space<hbm>>
      %dma_wait3A_198 = arith.constant 0 : i32
      %dma_wait3A_199 = arith.constant 0 : i32
      %dma_wait3A_200 = tpu.memref_slice %arg14[%dma_wait3A_198, %dma_wait3A_199] : memref<1024x16xf32, #tpu.memory_space<vmem>> -> memref<64x16xf32, #tpu.memory_space<vmem>>
      %dma_wait3A_201 = arith.constant 0 : i32
      %dma_wait3A_202 = arith.constant 0 : i32
      %dma_wait3A_203 = tpu.memref_slice %arg4[%dma_wait3A_201, %dma_wait3A_202] : memref<16384x16xf32, #tpu.memory_space<hbm>> -> memref<64x16xf32, #tpu.memory_space<hbm>>
      tpu.wait_dma2 semaphore(%arg16 : memref<!tpu.dma_semaphore, #tpu.memory_space<semaphore_mem>>) src(%dma_wait3A_203 : memref<64x16xf32, #tpu.memory_space<hbm>>) dst(%dma_wait3A_200 : memref<64x16xf32, #tpu.memory_space<vmem>>)
      %dma_wait3A_204 = arith.constant 0 : i32
      %dma_wait3A_205 = arith.constant 0 : i32
      %dma_wait3A_206 = tpu.memref_slice %arg14[%dma_wait3A_204, %dma_wait3A_205] : memref<1024x16xf32, #tpu.memory_space<vmem>> -> memref<64x16xf32, #tpu.memory_space<vmem>>
      %dma_wait3A_207 = arith.constant 0 : i32
      %dma_wait3A_208 = arith.constant 0 : i32
      %dma_wait3A_209 = tpu.memref_slice %arg4[%dma_wait3A_207, %dma_wait3A_208] : memref<16384x16xf32, #tpu.memory_space<hbm>> -> memref<64x16xf32, #tpu.memory_space<hbm>>
      %dma_wait3A_210 = arith.constant 0 : i32
      %dma_wait3A_211 = arith.constant 0 : i32
      %dma_wait3A_212 = tpu.memref_slice %arg14[%dma_wait3A_210, %dma_wait3A_211] : memref<1024x16xf32, #tpu.memory_space<vmem>> -> memref<64x16xf32, #tpu.memory_space<vmem>>
      %dma_wait3A_213 = arith.constant 0 : i32
      %dma_wait3A_214 = arith.constant 0 : i32
      %dma_wait3A_215 = tpu.memref_slice %arg4[%dma_wait3A_213, %dma_wait3A_214] : memref<16384x16xf32, #tpu.memory_space<hbm>> -> memref<64x16xf32, #tpu.memory_space<hbm>>
      tpu.wait_dma2 semaphore(%arg16 : memref<!tpu.dma_semaphore, #tpu.memory_space<semaphore_mem>>) src(%dma_wait3A_215 : memref<64x16xf32, #tpu.memory_space<hbm>>) dst(%dma_wait3A_212 : memref<64x16xf32, #tpu.memory_space<vmem>>)
      %mul3A_216 = arith.constant 64 : i32
      %mul3A_217 = arith.muli %add3A_11, %mul3A_216 : i32
      "tpu.region"() ({
        %run_scoped3A = tpu.sem_alloc : memref<!tpu.dma_semaphore, #tpu.memory_space<semaphore_mem>>
        %dma_start3A = arith.constant 0 : i32
        %dma_start3A_220 = tpu.memref_slice %arg6[%mul3A_217, %dma_start3A] : memref<1048576x16xf32, #tpu.memory_space<hbm>> -> memref<1024x16xf32, #tpu.memory_space<hbm>>
        %dma_start3A_221 = arith.constant 0 : i32
        %dma_start3A_222 = tpu.memref_slice %arg6[%mul3A_217, %dma_start3A_221] : memref<1048576x16xf32, #tpu.memory_space<hbm>> -> memref<1024x16xf32, #tpu.memory_space<hbm>>
        tpu.enqueue_dma source(%arg14 : memref<1024x16xf32, #tpu.memory_space<vmem>>) target(%dma_start3A_222 : memref<1024x16xf32, #tpu.memory_space<hbm>>) target_semaphore(%run_scoped3A : memref<!tpu.dma_semaphore, #tpu.memory_space<semaphore_mem>>)
        %dma_wait3A_223 = arith.constant 0 : i32
        %dma_wait3A_224 = tpu.memref_slice %arg6[%mul3A_217, %dma_wait3A_223] : memref<1048576x16xf32, #tpu.memory_space<hbm>> -> memref<1024x16xf32, #tpu.memory_space<hbm>>
        %dma_wait3A_225 = arith.constant 0 : i32
        %dma_wait3A_226 = tpu.memref_slice %arg6[%mul3A_217, %dma_wait3A_225] : memref<1048576x16xf32, #tpu.memory_space<hbm>> -> memref<1024x16xf32, #tpu.memory_space<hbm>>
        tpu.wait_dma2 semaphore(%run_scoped3A : memref<!tpu.dma_semaphore, #tpu.memory_space<semaphore_mem>>) src(%arg14 : memref<1024x16xf32, #tpu.memory_space<vmem>>) dst(%dma_wait3A_226 : memref<1024x16xf32, #tpu.memory_space<hbm>>)
        tpu.yield
      }) : () -> ()
      %mul3A_218 = arith.constant 64 : i32
      %mul3A_219 = arith.muli %add3A_11, %mul3A_218 : i32
      "tpu.region"() ({
        %run_scoped3A = tpu.sem_alloc : memref<!tpu.dma_semaphore, #tpu.memory_space<semaphore_mem>>
        %dma_start3A = tpu.memref_slice %arg7[%mul3A_219] : memref<1048576xf32, #tpu.memory_space<hbm>> -> memref<1024xf32, #tpu.memory_space<hbm>>
        %dma_start3A_220 = tpu.memref_slice %arg7[%mul3A_219] : memref<1048576xf32, #tpu.memory_space<hbm>> -> memref<1024xf32, #tpu.memory_space<hbm>>
        tpu.enqueue_dma source(%arg13 : memref<1024xf32, #tpu.memory_space<vmem>>) target(%dma_start3A_220 : memref<1024xf32, #tpu.memory_space<hbm>>) target_semaphore(%run_scoped3A : memref<!tpu.dma_semaphore, #tpu.memory_space<semaphore_mem>>)
        %dma_wait3A_221 = tpu.memref_slice %arg7[%mul3A_219] : memref<1048576xf32, #tpu.memory_space<hbm>> -> memref<1024xf32, #tpu.memory_space<hbm>>
        %dma_wait3A_222 = tpu.memref_slice %arg7[%mul3A_219] : memref<1048576xf32, #tpu.memory_space<hbm>> -> memref<1024xf32, #tpu.memory_space<hbm>>
        tpu.wait_dma2 semaphore(%run_scoped3A : memref<!tpu.dma_semaphore, #tpu.memory_space<semaphore_mem>>) src(%arg13 : memref<1024xf32, #tpu.memory_space<vmem>>) dst(%dma_wait3A_222 : memref<1024xf32, #tpu.memory_space<hbm>>)
        tpu.yield
      }) : () -> ()
    }
    %scan3A_7 = arith.constant 32 : i32
    return
  }
}

module attributes {stable_mosaic.version = 14 : i64} {
  func.func @_dist_thr_emb_body(%arg0: i32, %arg1: memref<1x3x1024xf32, #tpu.memory_space<vmem>>, %arg2: memref<1x1024x3xf32, #tpu.memory_space<vmem>>, %arg3: memref<1x1024x1xi32, #tpu.memory_space<vmem>>, %arg4: memref<32x16xf32, #tpu.memory_space<vmem>>, %arg5: memref<1x1024x1024xf32, #tpu.memory_space<vmem>>, %arg6: memref<1x1024x16xf32, #tpu.memory_space<vmem>>, %arg7: memref<1x1024x16xf32, #tpu.memory_space<vmem>>, %arg8: memref<1024x128xi32, #tpu.memory_space<vmem>>, %arg9: memref<1024x128xi32, #tpu.memory_space<vmem>>) attributes {dimension_semantics = [#tpu.dimension_semantics<arbitrary>], iteration_bounds = array<i64: 16>, scalar_prefetch = 0 : i64, scratch_operands = 2 : i64, tpu.core_type = #tpu.core_type<tc>, window_params = [{transform_indices = @transform_0, window_bounds = array<i64: 1, 3, 1024>}, {transform_indices = @transform_1, window_bounds = array<i64: 1, 1024, 3>}, {transform_indices = @transform_2, window_bounds = array<i64: 1, 1024, 1>}, {pipeline_mode = #tpu.pipeline_mode<synchronous>, transform_indices = @transform_3, window_bounds = array<i64: 32, 16>}, {transform_indices = @transform_4, window_bounds = array<i64: 1, 1024, 1024>}, {transform_indices = @transform_5, window_bounds = array<i64: 1, 1024, 16>}, {transform_indices = @transform_6, window_bounds = array<i64: 1, 1024, 16>}]} {
    %get3A = arith.constant 0 : index
    %get3A_0 = arith.constant 0 : index
    %get3A_1 = arith.constant 0 : index
    %get3A_2 = vector.load %arg1[%get3A, %get3A_0, %get3A_1] : memref<1x3x1024xf32, #tpu.memory_space<vmem>>, vector<1x1x1024xf32>
    %get3A_3 = vector.shape_cast %get3A_2 : vector<1x1x1024xf32> to vector<1x1024xf32>
    %get3A_4 = arith.constant 0 : index
    %get3A_5 = arith.constant 1 : index
    %get3A_6 = arith.constant 0 : index
    %get3A_7 = vector.load %arg1[%get3A_4, %get3A_5, %get3A_6] : memref<1x3x1024xf32, #tpu.memory_space<vmem>>, vector<1x1x1024xf32>
    %get3A_8 = vector.shape_cast %get3A_7 : vector<1x1x1024xf32> to vector<1x1024xf32>
    %get3A_9 = arith.constant 0 : index
    %get3A_10 = arith.constant 2 : index
    %get3A_11 = arith.constant 0 : index
    %get3A_12 = vector.load %arg1[%get3A_9, %get3A_10, %get3A_11] : memref<1x3x1024xf32, #tpu.memory_space<vmem>>, vector<1x1x1024xf32>
    %get3A_13 = vector.shape_cast %get3A_12 : vector<1x1x1024xf32> to vector<1x1024xf32>
    %scan3A = arith.constant 0 : i32
    %scan3A_14 = arith.constant 64 : i32
    %scan3A_15 = arith.addi %scan3A, %scan3A_14 : i32
    %scan3A_16 = arith.constant 2 : i32
    scf.for %scan3A_43 = %scan3A to %scan3A_15 step %scan3A_16  : i32 {
      %mul3A = arith.constant 16 : i32
      %mul3A_44 = arith.muli %scan3A_43, %mul3A : i32
      %get3A_45 = arith.constant 0 : index
      %get3A_46 = arith.index_cast %mul3A_44 : i32 to index
      %get3A_47 = arith.constant 0 : index
      %get3A_48 = vector.load %arg2[%get3A_45, %get3A_46, %get3A_47] : memref<1x1024x3xf32, #tpu.memory_space<vmem>>, vector<1x16x1xf32>
      %get3A_49 = vector.shape_cast %get3A_48 : vector<1x16x1xf32> to vector<16x1xf32>
      %get3A_50 = arith.constant 0 : index
      %get3A_51 = arith.index_cast %mul3A_44 : i32 to index
      %get3A_52 = arith.constant 1 : index
      %get3A_53 = vector.load %arg2[%get3A_50, %get3A_51, %get3A_52] : memref<1x1024x3xf32, #tpu.memory_space<vmem>>, vector<1x16x1xf32>
      %get3A_54 = vector.shape_cast %get3A_53 : vector<1x16x1xf32> to vector<16x1xf32>
      %get3A_55 = arith.constant 0 : index
      %get3A_56 = arith.index_cast %mul3A_44 : i32 to index
      %get3A_57 = arith.constant 2 : index
      %get3A_58 = vector.load %arg2[%get3A_55, %get3A_56, %get3A_57] : memref<1x1024x3xf32, #tpu.memory_space<vmem>>, vector<1x16x1xf32>
      %get3A_59 = vector.shape_cast %get3A_58 : vector<1x16x1xf32> to vector<16x1xf32>
      %sub3A = vector.broadcast %get3A_49 : vector<16x1xf32> to vector<16x1024xf32>
      %sub3A_60 = vector.broadcast %get3A_3 : vector<1x1024xf32> to vector<16x1024xf32>
      %sub3A_61 = arith.subf %sub3A, %sub3A_60 : vector<16x1024xf32>
      %sub3A_62 = vector.broadcast %get3A_54 : vector<16x1xf32> to vector<16x1024xf32>
      %sub3A_63 = vector.broadcast %get3A_8 : vector<1x1024xf32> to vector<16x1024xf32>
      %sub3A_64 = arith.subf %sub3A_62, %sub3A_63 : vector<16x1024xf32>
      %sub3A_65 = vector.broadcast %get3A_59 : vector<16x1xf32> to vector<16x1024xf32>
      %sub3A_66 = vector.broadcast %get3A_13 : vector<1x1024xf32> to vector<16x1024xf32>
      %sub3A_67 = arith.subf %sub3A_65, %sub3A_66 : vector<16x1024xf32>
      %mul3A_68 = arith.mulf %sub3A_61, %sub3A_61 : vector<16x1024xf32>
      %mul3A_69 = arith.mulf %sub3A_64, %sub3A_64 : vector<16x1024xf32>
      %add3A = arith.addf %mul3A_68, %mul3A_69 : vector<16x1024xf32>
      %mul3A_70 = arith.mulf %sub3A_67, %sub3A_67 : vector<16x1024xf32>
      %add3A_71 = arith.addf %add3A, %mul3A_70 : vector<16x1024xf32>
      %iota3A_72 = tpu.iota {dimensions = array<i32: 0>} : vector<16x1024xi32>
      %add3A_73 = vector.broadcast %mul3A_44 : i32 to vector<16x1024xi32>
      %add3A_74 = arith.addi %iota3A_72, %add3A_73 : vector<16x1024xi32>
      %iota3A_75 = tpu.iota {dimensions = array<i32: 1>} : vector<16x1024xi32>
      %sub3A_76 = arith.subi %add3A_74, %iota3A_75 : vector<16x1024xi32>
      %abs3A = math.absi %sub3A_76 : vector<16x1024xi32>
      %le3A = arith.constant 3 : i32
      %le3A_77 = vector.broadcast %le3A : i32 to vector<16x1024xi32>
      %le3A_78 = arith.cmpi sle, %abs3A, %le3A_77 : vector<16x1024xi32>
      %jit3A = arith.constant 0x7F800000 : f32
      %broadcast_in_dim3A = vector.broadcast %jit3A : f32 to vector<16x1024xf32>
      %select_n3A = arith.select %le3A_78, %broadcast_in_dim3A, %add3A_71 : vector<16x1024xi1>, vector<16x1024xf32>
      %swap3A_79 = arith.constant 0 : index
      %swap3A_80 = arith.index_cast %mul3A_44 : i32 to index
      %swap3A_81 = arith.constant 0 : index
      %swap3A_82 = vector.load %arg5[%swap3A_79, %swap3A_80, %swap3A_81] : memref<1x1024x1024xf32, #tpu.memory_space<vmem>>, vector<1x16x1024xf32>
      %swap3A_83 = vector.shape_cast %swap3A_82 : vector<1x16x1024xf32> to vector<16x1024xf32>
      %swap3A_84 = vector.shape_cast %select_n3A : vector<16x1024xf32> to vector<1x16x1024xf32>
      tpu.vector_store %arg5[%swap3A_79, %swap3A_80, %swap3A_81], %swap3A_84 {strides = array<i32>} : memref<1x1024x1024xf32, #tpu.memory_space<vmem>>, vector<1x16x1024xf32>,
      %broadcast_in_dim3A_85 = arith.constant 0 : i32
      %broadcast_in_dim3A_86 = vector.broadcast %broadcast_in_dim3A_85 : i32 to vector<16x1xi32>
      %swap3A_87 = arith.index_cast %mul3A_44 : i32 to index
      %swap3A_88 = arith.constant 0 : index
      %swap3A_89 = vector.load %arg8[%swap3A_87, %swap3A_88] : memref<1024x128xi32, #tpu.memory_space<vmem>>, vector<16x1xi32>
      tpu.vector_store %arg8[%swap3A_87, %swap3A_88], %broadcast_in_dim3A_86 {strides = array<i32>} : memref<1024x128xi32, #tpu.memory_space<vmem>>, vector<16x1xi32>,
      %broadcast_in_dim3A_90 = arith.constant 2139095040 : i32
      %broadcast_in_dim3A_91 = vector.broadcast %broadcast_in_dim3A_90 : i32 to vector<16x1xi32>
      %swap3A_92 = arith.index_cast %mul3A_44 : i32 to index
      %swap3A_93 = arith.constant 0 : index
      %swap3A_94 = vector.load %arg9[%swap3A_92, %swap3A_93] : memref<1024x128xi32, #tpu.memory_space<vmem>>, vector<16x1xi32>
      tpu.vector_store %arg9[%swap3A_92, %swap3A_93], %broadcast_in_dim3A_91 {strides = array<i32>} : memref<1024x128xi32, #tpu.memory_space<vmem>>, vector<16x1xi32>,
      %scan3A_95 = arith.constant 1 : i32
      %scan3A_96 = arith.addi %scan3A_43, %scan3A_95 : i32
      %mul3A_97 = arith.constant 16 : i32
      %mul3A_98 = arith.muli %scan3A_96, %mul3A_97 : i32
      %get3A_99 = arith.constant 0 : index
      %get3A_100 = arith.index_cast %mul3A_98 : i32 to index
      %get3A_101 = arith.constant 0 : index
      %get3A_102 = vector.load %arg2[%get3A_99, %get3A_100, %get3A_101] : memref<1x1024x3xf32, #tpu.memory_space<vmem>>, vector<1x16x1xf32>
      %get3A_103 = vector.shape_cast %get3A_102 : vector<1x16x1xf32> to vector<16x1xf32>
      %get3A_104 = arith.constant 0 : index
      %get3A_105 = arith.index_cast %mul3A_98 : i32 to index
      %get3A_106 = arith.constant 1 : index
      %get3A_107 = vector.load %arg2[%get3A_104, %get3A_105, %get3A_106] : memref<1x1024x3xf32, #tpu.memory_space<vmem>>, vector<1x16x1xf32>
      %get3A_108 = vector.shape_cast %get3A_107 : vector<1x16x1xf32> to vector<16x1xf32>
      %get3A_109 = arith.constant 0 : index
      %get3A_110 = arith.index_cast %mul3A_98 : i32 to index
      %get3A_111 = arith.constant 2 : index
      %get3A_112 = vector.load %arg2[%get3A_109, %get3A_110, %get3A_111] : memref<1x1024x3xf32, #tpu.memory_space<vmem>>, vector<1x16x1xf32>
      %get3A_113 = vector.shape_cast %get3A_112 : vector<1x16x1xf32> to vector<16x1xf32>
      %sub3A_114 = vector.broadcast %get3A_103 : vector<16x1xf32> to vector<16x1024xf32>
      %sub3A_115 = vector.broadcast %get3A_3 : vector<1x1024xf32> to vector<16x1024xf32>
      %sub3A_116 = arith.subf %sub3A_114, %sub3A_115 : vector<16x1024xf32>
      %sub3A_117 = vector.broadcast %get3A_108 : vector<16x1xf32> to vector<16x1024xf32>
      %sub3A_118 = vector.broadcast %get3A_8 : vector<1x1024xf32> to vector<16x1024xf32>
      %sub3A_119 = arith.subf %sub3A_117, %sub3A_118 : vector<16x1024xf32>
      %sub3A_120 = vector.broadcast %get3A_113 : vector<16x1xf32> to vector<16x1024xf32>
      %sub3A_121 = vector.broadcast %get3A_13 : vector<1x1024xf32> to vector<16x1024xf32>
      %sub3A_122 = arith.subf %sub3A_120, %sub3A_121 : vector<16x1024xf32>
      %mul3A_123 = arith.mulf %sub3A_116, %sub3A_116 : vector<16x1024xf32>
      %mul3A_124 = arith.mulf %sub3A_119, %sub3A_119 : vector<16x1024xf32>
      %add3A_125 = arith.addf %mul3A_123, %mul3A_124 : vector<16x1024xf32>
      %mul3A_126 = arith.mulf %sub3A_122, %sub3A_122 : vector<16x1024xf32>
      %add3A_127 = arith.addf %add3A_125, %mul3A_126 : vector<16x1024xf32>
      %iota3A_128 = tpu.iota {dimensions = array<i32: 0>} : vector<16x1024xi32>
      %add3A_129 = vector.broadcast %mul3A_98 : i32 to vector<16x1024xi32>
      %add3A_130 = arith.addi %iota3A_128, %add3A_129 : vector<16x1024xi32>
      %iota3A_131 = tpu.iota {dimensions = array<i32: 1>} : vector<16x1024xi32>
      %sub3A_132 = arith.subi %add3A_130, %iota3A_131 : vector<16x1024xi32>
      %abs3A_133 = math.absi %sub3A_132 : vector<16x1024xi32>
      %le3A_134 = arith.constant 3 : i32
      %le3A_135 = vector.broadcast %le3A_134 : i32 to vector<16x1024xi32>
      %le3A_136 = arith.cmpi sle, %abs3A_133, %le3A_135 : vector<16x1024xi32>
      %jit3A_137 = arith.constant 0x7F800000 : f32
      %broadcast_in_dim3A_138 = vector.broadcast %jit3A_137 : f32 to vector<16x1024xf32>
      %select_n3A_139 = arith.select %le3A_136, %broadcast_in_dim3A_138, %add3A_127 : vector<16x1024xi1>, vector<16x1024xf32>
      %swap3A_140 = arith.constant 0 : index
      %swap3A_141 = arith.index_cast %mul3A_98 : i32 to index
      %swap3A_142 = arith.constant 0 : index
      %swap3A_143 = vector.load %arg5[%swap3A_140, %swap3A_141, %swap3A_142] : memref<1x1024x1024xf32, #tpu.memory_space<vmem>>, vector<1x16x1024xf32>
      %swap3A_144 = vector.shape_cast %swap3A_143 : vector<1x16x1024xf32> to vector<16x1024xf32>
      %swap3A_145 = vector.shape_cast %select_n3A_139 : vector<16x1024xf32> to vector<1x16x1024xf32>
      tpu.vector_store %arg5[%swap3A_140, %swap3A_141, %swap3A_142], %swap3A_145 {strides = array<i32>} : memref<1x1024x1024xf32, #tpu.memory_space<vmem>>, vector<1x16x1024xf32>,
      %broadcast_in_dim3A_146 = arith.constant 0 : i32
      %broadcast_in_dim3A_147 = vector.broadcast %broadcast_in_dim3A_146 : i32 to vector<16x1xi32>
      %swap3A_148 = arith.index_cast %mul3A_98 : i32 to index
      %swap3A_149 = arith.constant 0 : index
      %swap3A_150 = vector.load %arg8[%swap3A_148, %swap3A_149] : memref<1024x128xi32, #tpu.memory_space<vmem>>, vector<16x1xi32>
      tpu.vector_store %arg8[%swap3A_148, %swap3A_149], %broadcast_in_dim3A_147 {strides = array<i32>} : memref<1024x128xi32, #tpu.memory_space<vmem>>, vector<16x1xi32>,
      %broadcast_in_dim3A_151 = arith.constant 2139095040 : i32
      %broadcast_in_dim3A_152 = vector.broadcast %broadcast_in_dim3A_151 : i32 to vector<16x1xi32>
      %swap3A_153 = arith.index_cast %mul3A_98 : i32 to index
      %swap3A_154 = arith.constant 0 : index
      %swap3A_155 = vector.load %arg9[%swap3A_153, %swap3A_154] : memref<1024x128xi32, #tpu.memory_space<vmem>>, vector<16x1xi32>
      tpu.vector_store %arg9[%swap3A_153, %swap3A_154], %broadcast_in_dim3A_152 {strides = array<i32>} : memref<1024x128xi32, #tpu.memory_space<vmem>>, vector<16x1xi32>,
    }
    %scan3A_17 = arith.constant 64 : i32
    %scan3A_18 = arith.constant 0 : i32
    %scan3A_19 = arith.constant 31 : i32
    %scan3A_20 = arith.addi %scan3A_18, %scan3A_19 : i32
    %scan3A_21 = arith.constant 1 : i32
    scf.for %scan3A_43 = %scan3A_18 to %scan3A_20 step %scan3A_21  : i32 {
      %scan3A_44 = arith.constant 0 : i32
      %scan3A_45 = arith.constant 32 : i32
      %scan3A_46 = arith.addi %scan3A_44, %scan3A_45 : i32
      %scan3A_47 = arith.constant 8 : i32
      scf.for %scan3A_49 = %scan3A_44 to %scan3A_46 step %scan3A_47  : i32 {
        %mul3A = arith.constant 32 : i32
        %mul3A_50 = arith.muli %scan3A_49, %mul3A : i32
        %get3A_51 = arith.constant 0 : index
        %get3A_52 = arith.index_cast %mul3A_50 : i32 to index
        %get3A_53 = arith.constant 0 : index
        %get3A_54 = vector.load %arg5[%get3A_51, %get3A_52, %get3A_53] : memref<1x1024x1024xf32, #tpu.memory_space<vmem>>, vector<1x32x1024xf32>
        %get3A_55 = vector.shape_cast %get3A_54 : vector<1x32x1024xf32> to vector<32x1024xf32>
        %bitcast_convert_type3A = tpu.bitcast %get3A_55 : vector<32x1024xf32> -> vector<32x1024xi32>
        %get3A_56 = arith.index_cast %mul3A_50 : i32 to index
        %get3A_57 = arith.constant 0 : index
        %get3A_58 = vector.load %arg8[%get3A_56, %get3A_57] : memref<1024x128xi32, #tpu.memory_space<vmem>>, vector<32x1xi32>
        %get3A_59 = arith.index_cast %mul3A_50 : i32 to index
        %get3A_60 = arith.constant 0 : index
        %get3A_61 = vector.load %arg9[%get3A_59, %get3A_60] : memref<1024x128xi32, #tpu.memory_space<vmem>>, vector<32x1xi32>
        %sub3A = arith.subi %get3A_61, %get3A_58 : vector<32x1xi32>
        %jit3A = arith.constant 2 : i32
        %div3A = vector.broadcast %jit3A : i32 to vector<32x1xi32>
        %div3A_62 = arith.divsi %sub3A, %div3A : vector<32x1xi32>
        %sign3A = arith.constant 0 : i32
        %sign3A_63 = vector.broadcast %sign3A : i32 to vector<32x1xi32>
        %sign3A_64 = arith.cmpi sgt, %sub3A, %sign3A_63 : vector<32x1xi32>
        %sign3A_65 = arith.extui %sign3A_64 : vector<32x1xi1> to vector<32x1xi32>
        %sign3A_66 = arith.constant 0 : i32
        %sign3A_67 = vector.broadcast %sign3A_66 : i32 to vector<32x1xi32>
        %sign3A_68 = arith.cmpi slt, %sub3A, %sign3A_67 : vector<32x1xi32>
        %sign3A_69 = arith.extui %sign3A_68 : vector<32x1xi1> to vector<32x1xi32>
        %sign3A_70 = arith.subi %sign3A_65, %sign3A_69 : vector<32x1xi32>
        %sign3A_71 = arith.constant 0 : i32
        %sign3A_72 = arith.cmpi sgt, %jit3A, %sign3A_71 : i32
        %sign3A_73 = arith.extui %sign3A_72 : i1 to i32
        %sign3A_74 = arith.constant 0 : i32
        %sign3A_75 = arith.cmpi slt, %jit3A, %sign3A_74 : i32
        %sign3A_76 = arith.extui %sign3A_75 : i1 to i32
        %sign3A_77 = arith.subi %sign3A_73, %sign3A_76 : i32
        %ne3A = vector.broadcast %sign3A_77 : i32 to vector<32x1xi32>
        %ne3A_78 = arith.cmpi ne, %sign3A_70, %ne3A : vector<32x1xi32>
        %rem3A = vector.broadcast %jit3A : i32 to vector<32x1xi32>
        %rem3A_79 = arith.remsi %sub3A, %rem3A : vector<32x1xi32>
        %ne3A_80 = arith.constant 0 : i32
        %ne3A_81 = vector.broadcast %ne3A_80 : i32 to vector<32x1xi32>
        %ne3A_82 = arith.cmpi ne, %rem3A_79, %ne3A_81 : vector<32x1xi32>
        %and3A = arith.andi %ne3A_78, %ne3A_82 : vector<32x1xi1>
        %sub3A_83 = arith.constant 1 : i32
        %sub3A_84 = vector.broadcast %sub3A_83 : i32 to vector<32x1xi32>
        %sub3A_85 = arith.subi %div3A_62, %sub3A_84 : vector<32x1xi32>
        %select_n3A = arith.select %and3A, %sub3A_85, %div3A_62 : vector<32x1xi1>, vector<32x1xi32>
        %add3A = arith.addi %get3A_58, %select_n3A : vector<32x1xi32>
        %le3A = vector.broadcast %add3A : vector<32x1xi32> to vector<32x1024xi32>
        %le3A_86 = arith.cmpi sle, %bitcast_convert_type3A, %le3A : vector<32x1024xi32>
        %jit3A_87 = arith.constant 1 : i32
        %jit3A_88 = arith.constant 0 : i32
        %broadcast_in_dim3A = vector.broadcast %jit3A_87 : i32 to vector<32x1024xi32>
        %broadcast_in_dim3A_89 = vector.broadcast %jit3A_88 : i32 to vector<32x1024xi32>
        %select_n3A_90 = arith.select %le3A_86, %broadcast_in_dim3A, %broadcast_in_dim3A_89 : vector<32x1024xi1>, vector<32x1024xi32>
        %reduce_sum3A = arith.constant dense<0> : vector<32xi32>
        %reduce_sum3A_91 = vector.multi_reduction <add>, %select_n3A_90, %reduce_sum3A [1] : vector<32x1024xi32> to vector<32xi32>
        %broadcast_in_dim3A_92 = vector.shape_cast %reduce_sum3A_91 : vector<32xi32> to vector<32x1xi32>
        %ge3A = arith.constant 64 : i32
        %ge3A_93 = vector.broadcast %ge3A : i32 to vector<32x1xi32>
        %ge3A_94 = arith.cmpi sge, %broadcast_in_dim3A_92, %ge3A_93 : vector<32x1xi32>
        %add3A_95 = arith.constant 1 : i32
        %add3A_96 = vector.broadcast %add3A_95 : i32 to vector<32x1xi32>
        %add3A_97 = arith.addi %add3A, %add3A_96 : vector<32x1xi32>
        %select_n3A_98 = arith.select %ge3A_94, %get3A_58, %add3A_97 : vector<32x1xi1>, vector<32x1xi32>
        %swap3A_99 = arith.index_cast %mul3A_50 : i32 to index
        %swap3A_100 = arith.constant 0 : index
        %swap3A_101 = vector.load %arg8[%swap3A_99, %swap3A_100] : memref<1024x128xi32, #tpu.memory_space<vmem>>, vector<32x1xi32>
        tpu.vector_store %arg8[%swap3A_99, %swap3A_100], %select_n3A_98 {strides = array<i32>} : memref<1024x128xi32, #tpu.memory_space<vmem>>, vector<32x1xi32>,
        %select_n3A_102 = arith.select %ge3A_94, %add3A, %get3A_61 : vector<32x1xi1>, vector<32x1xi32>
        %swap3A_103 = arith.index_cast %mul3A_50 : i32 to index
        %swap3A_104 = arith.constant 0 : index
        %swap3A_105 = vector.load %arg9[%swap3A_103, %swap3A_104] : memref<1024x128xi32, #tpu.memory_space<vmem>>, vector<32x1xi32>
        tpu.vector_store %arg9[%swap3A_103, %swap3A_104], %select_n3A_102 {strides = array<i32>} : memref<1024x128xi32, #tpu.memory_space<vmem>>, vector<32x1xi32>,
        %scan3A_106 = arith.constant 1 : i32
        %scan3A_107 = arith.addi %scan3A_49, %scan3A_106 : i32
        %mul3A_108 = arith.constant 32 : i32
        %mul3A_109 = arith.muli %scan3A_107, %mul3A_108 : i32
        %get3A_110 = arith.constant 0 : index
        %get3A_111 = arith.index_cast %mul3A_109 : i32 to index
        %get3A_112 = arith.constant 0 : index
        %get3A_113 = vector.load %arg5[%get3A_110, %get3A_111, %get3A_112] : memref<1x1024x1024xf32, #tpu.memory_space<vmem>>, vector<1x32x1024xf32>
        %get3A_114 = vector.shape_cast %get3A_113 : vector<1x32x1024xf32> to vector<32x1024xf32>
        %bitcast_convert_type3A_115 = tpu.bitcast %get3A_114 : vector<32x1024xf32> -> vector<32x1024xi32>
        %get3A_116 = arith.index_cast %mul3A_109 : i32 to index
        %get3A_117 = arith.constant 0 : index
        %get3A_118 = vector.load %arg8[%get3A_116, %get3A_117] : memref<1024x128xi32, #tpu.memory_space<vmem>>, vector<32x1xi32>
        %get3A_119 = arith.index_cast %mul3A_109 : i32 to index
        %get3A_120 = arith.constant 0 : index
        %get3A_121 = vector.load %arg9[%get3A_119, %get3A_120] : memref<1024x128xi32, #tpu.memory_space<vmem>>, vector<32x1xi32>
        %sub3A_122 = arith.subi %get3A_121, %get3A_118 : vector<32x1xi32>
        %jit3A_123 = arith.constant 2 : i32
        %div3A_124 = vector.broadcast %jit3A_123 : i32 to vector<32x1xi32>
        %div3A_125 = arith.divsi %sub3A_122, %div3A_124 : vector<32x1xi32>
        %sign3A_126 = arith.constant 0 : i32
        %sign3A_127 = vector.broadcast %sign3A_126 : i32 to vector<32x1xi32>
        %sign3A_128 = arith.cmpi sgt, %sub3A_122, %sign3A_127 : vector<32x1xi32>
        %sign3A_129 = arith.extui %sign3A_128 : vector<32x1xi1> to vector<32x1xi32>
        %sign3A_130 = arith.constant 0 : i32
        %sign3A_131 = vector.broadcast %sign3A_130 : i32 to vector<32x1xi32>
        %sign3A_132 = arith.cmpi slt, %sub3A_122, %sign3A_131 : vector<32x1xi32>
        %sign3A_133 = arith.extui %sign3A_132 : vector<32x1xi1> to vector<32x1xi32>
        %sign3A_134 = arith.subi %sign3A_129, %sign3A_133 : vector<32x1xi32>
        %sign3A_135 = arith.constant 0 : i32
        %sign3A_136 = arith.cmpi sgt, %jit3A_123, %sign3A_135 : i32
        %sign3A_137 = arith.extui %sign3A_136 : i1 to i32
        %sign3A_138 = arith.constant 0 : i32
        %sign3A_139 = arith.cmpi slt, %jit3A_123, %sign3A_138 : i32
        %sign3A_140 = arith.extui %sign3A_139 : i1 to i32
        %sign3A_141 = arith.subi %sign3A_137, %sign3A_140 : i32
        %ne3A_142 = vector.broadcast %sign3A_141 : i32 to vector<32x1xi32>
        %ne3A_143 = arith.cmpi ne, %sign3A_134, %ne3A_142 : vector<32x1xi32>
        %rem3A_144 = vector.broadcast %jit3A_123 : i32 to vector<32x1xi32>
        %rem3A_145 = arith.remsi %sub3A_122, %rem3A_144 : vector<32x1xi32>
        %ne3A_146 = arith.constant 0 : i32
        %ne3A_147 = vector.broadcast %ne3A_146 : i32 to vector<32x1xi32>
        %ne3A_148 = arith.cmpi ne, %rem3A_145, %ne3A_147 : vector<32x1xi32>
        %and3A_149 = arith.andi %ne3A_143, %ne3A_148 : vector<32x1xi1>
        %sub3A_150 = arith.constant 1 : i32
        %sub3A_151 = vector.broadcast %sub3A_150 : i32 to vector<32x1xi32>
        %sub3A_152 = arith.subi %div3A_125, %sub3A_151 : vector<32x1xi32>
        %select_n3A_153 = arith.select %and3A_149, %sub3A_152, %div3A_125 : vector<32x1xi1>, vector<32x1xi32>
        %add3A_154 = arith.addi %get3A_118, %select_n3A_153 : vector<32x1xi32>
        %le3A_155 = vector.broadcast %add3A_154 : vector<32x1xi32> to vector<32x1024xi32>
        %le3A_156 = arith.cmpi sle, %bitcast_convert_type3A_115, %le3A_155 : vector<32x1024xi32>
        %jit3A_157 = arith.constant 1 : i32
        %jit3A_158 = arith.constant 0 : i32
        %broadcast_in_dim3A_159 = vector.broadcast %jit3A_157 : i32 to vector<32x1024xi32>
        %broadcast_in_dim3A_160 = vector.broadcast %jit3A_158 : i32 to vector<32x1024xi32>
        %select_n3A_161 = arith.select %le3A_156, %broadcast_in_dim3A_159, %broadcast_in_dim3A_160 : vector<32x1024xi1>, vector<32x1024xi32>
        %reduce_sum3A_162 = arith.constant dense<0> : vector<32xi32>
        %reduce_sum3A_163 = vector.multi_reduction <add>, %select_n3A_161, %reduce_sum3A_162 [1] : vector<32x1024xi32> to vector<32xi32>
        %broadcast_in_dim3A_164 = vector.shape_cast %reduce_sum3A_163 : vector<32xi32> to vector<32x1xi32>
        %ge3A_165 = arith.constant 64 : i32
        %ge3A_166 = vector.broadcast %ge3A_165 : i32 to vector<32x1xi32>
        %ge3A_167 = arith.cmpi sge, %broadcast_in_dim3A_164, %ge3A_166 : vector<32x1xi32>
        %add3A_168 = arith.constant 1 : i32
        %add3A_169 = vector.broadcast %add3A_168 : i32 to vector<32x1xi32>
        %add3A_170 = arith.addi %add3A_154, %add3A_169 : vector<32x1xi32>
        %select_n3A_171 = arith.select %ge3A_167, %get3A_118, %add3A_170 : vector<32x1xi1>, vector<32x1xi32>
        %swap3A_172 = arith.index_cast %mul3A_109 : i32 to index
        %swap3A_173 = arith.constant 0 : index
        %swap3A_174 = vector.load %arg8[%swap3A_172, %swap3A_173] : memref<1024x128xi32, #tpu.memory_space<vmem>>, vector<32x1xi32>
        tpu.vector_store %arg8[%swap3A_172, %swap3A_173], %select_n3A_171 {strides = array<i32>} : memref<1024x128xi32, #tpu.memory_space<vmem>>, vector<32x1xi32>,
        %select_n3A_175 = arith.select %ge3A_167, %add3A_154, %get3A_121 : vector<32x1xi1>, vector<32x1xi32>
        %swap3A_176 = arith.index_cast %mul3A_109 : i32 to index
        %swap3A_177 = arith.constant 0 : index
        %swap3A_178 = vector.load %arg9[%swap3A_176, %swap3A_177] : memref<1024x128xi32, #tpu.memory_space<vmem>>, vector<32x1xi32>
        tpu.vector_store %arg9[%swap3A_176, %swap3A_177], %select_n3A_175 {strides = array<i32>} : memref<1024x128xi32, #tpu.memory_space<vmem>>, vector<32x1xi32>,
        %scan3A_179 = arith.constant 2 : i32
        %scan3A_180 = arith.addi %scan3A_49, %scan3A_179 : i32
        %mul3A_181 = arith.constant 32 : i32
        %mul3A_182 = arith.muli %scan3A_180, %mul3A_181 : i32
        %get3A_183 = arith.constant 0 : index
        %get3A_184 = arith.index_cast %mul3A_182 : i32 to index
        %get3A_185 = arith.constant 0 : index
        %get3A_186 = vector.load %arg5[%get3A_183, %get3A_184, %get3A_185] : memref<1x1024x1024xf32, #tpu.memory_space<vmem>>, vector<1x32x1024xf32>
        %get3A_187 = vector.shape_cast %get3A_186 : vector<1x32x1024xf32> to vector<32x1024xf32>
        %bitcast_convert_type3A_188 = tpu.bitcast %get3A_187 : vector<32x1024xf32> -> vector<32x1024xi32>
        %get3A_189 = arith.index_cast %mul3A_182 : i32 to index
        %get3A_190 = arith.constant 0 : index
        %get3A_191 = vector.load %arg8[%get3A_189, %get3A_190] : memref<1024x128xi32, #tpu.memory_space<vmem>>, vector<32x1xi32>
        %get3A_192 = arith.index_cast %mul3A_182 : i32 to index
        %get3A_193 = arith.constant 0 : index
        %get3A_194 = vector.load %arg9[%get3A_192, %get3A_193] : memref<1024x128xi32, #tpu.memory_space<vmem>>, vector<32x1xi32>
        %sub3A_195 = arith.subi %get3A_194, %get3A_191 : vector<32x1xi32>
        %jit3A_196 = arith.constant 2 : i32
        %div3A_197 = vector.broadcast %jit3A_196 : i32 to vector<32x1xi32>
        %div3A_198 = arith.divsi %sub3A_195, %div3A_197 : vector<32x1xi32>
        %sign3A_199 = arith.constant 0 : i32
        %sign3A_200 = vector.broadcast %sign3A_199 : i32 to vector<32x1xi32>
        %sign3A_201 = arith.cmpi sgt, %sub3A_195, %sign3A_200 : vector<32x1xi32>
        %sign3A_202 = arith.extui %sign3A_201 : vector<32x1xi1> to vector<32x1xi32>
        %sign3A_203 = arith.constant 0 : i32
        %sign3A_204 = vector.broadcast %sign3A_203 : i32 to vector<32x1xi32>
        %sign3A_205 = arith.cmpi slt, %sub3A_195, %sign3A_204 : vector<32x1xi32>
        %sign3A_206 = arith.extui %sign3A_205 : vector<32x1xi1> to vector<32x1xi32>
        %sign3A_207 = arith.subi %sign3A_202, %sign3A_206 : vector<32x1xi32>
        %sign3A_208 = arith.constant 0 : i32
        %sign3A_209 = arith.cmpi sgt, %jit3A_196, %sign3A_208 : i32
        %sign3A_210 = arith.extui %sign3A_209 : i1 to i32
        %sign3A_211 = arith.constant 0 : i32
        %sign3A_212 = arith.cmpi slt, %jit3A_196, %sign3A_211 : i32
        %sign3A_213 = arith.extui %sign3A_212 : i1 to i32
        %sign3A_214 = arith.subi %sign3A_210, %sign3A_213 : i32
        %ne3A_215 = vector.broadcast %sign3A_214 : i32 to vector<32x1xi32>
        %ne3A_216 = arith.cmpi ne, %sign3A_207, %ne3A_215 : vector<32x1xi32>
        %rem3A_217 = vector.broadcast %jit3A_196 : i32 to vector<32x1xi32>
        %rem3A_218 = arith.remsi %sub3A_195, %rem3A_217 : vector<32x1xi32>
        %ne3A_219 = arith.constant 0 : i32
        %ne3A_220 = vector.broadcast %ne3A_219 : i32 to vector<32x1xi32>
        %ne3A_221 = arith.cmpi ne, %rem3A_218, %ne3A_220 : vector<32x1xi32>
        %and3A_222 = arith.andi %ne3A_216, %ne3A_221 : vector<32x1xi1>
        %sub3A_223 = arith.constant 1 : i32
        %sub3A_224 = vector.broadcast %sub3A_223 : i32 to vector<32x1xi32>
        %sub3A_225 = arith.subi %div3A_198, %sub3A_224 : vector<32x1xi32>
        %select_n3A_226 = arith.select %and3A_222, %sub3A_225, %div3A_198 : vector<32x1xi1>, vector<32x1xi32>
        %add3A_227 = arith.addi %get3A_191, %select_n3A_226 : vector<32x1xi32>
        %le3A_228 = vector.broadcast %add3A_227 : vector<32x1xi32> to vector<32x1024xi32>
        %le3A_229 = arith.cmpi sle, %bitcast_convert_type3A_188, %le3A_228 : vector<32x1024xi32>
        %jit3A_230 = arith.constant 1 : i32
        %jit3A_231 = arith.constant 0 : i32
        %broadcast_in_dim3A_232 = vector.broadcast %jit3A_230 : i32 to vector<32x1024xi32>
        %broadcast_in_dim3A_233 = vector.broadcast %jit3A_231 : i32 to vector<32x1024xi32>
        %select_n3A_234 = arith.select %le3A_229, %broadcast_in_dim3A_232, %broadcast_in_dim3A_233 : vector<32x1024xi1>, vector<32x1024xi32>
        %reduce_sum3A_235 = arith.constant dense<0> : vector<32xi32>
        %reduce_sum3A_236 = vector.multi_reduction <add>, %select_n3A_234, %reduce_sum3A_235 [1] : vector<32x1024xi32> to vector<32xi32>
        %broadcast_in_dim3A_237 = vector.shape_cast %reduce_sum3A_236 : vector<32xi32> to vector<32x1xi32>
        %ge3A_238 = arith.constant 64 : i32
        %ge3A_239 = vector.broadcast %ge3A_238 : i32 to vector<32x1xi32>
        %ge3A_240 = arith.cmpi sge, %broadcast_in_dim3A_237, %ge3A_239 : vector<32x1xi32>
        %add3A_241 = arith.constant 1 : i32
        %add3A_242 = vector.broadcast %add3A_241 : i32 to vector<32x1xi32>
        %add3A_243 = arith.addi %add3A_227, %add3A_242 : vector<32x1xi32>
        %select_n3A_244 = arith.select %ge3A_240, %get3A_191, %add3A_243 : vector<32x1xi1>, vector<32x1xi32>
        %swap3A_245 = arith.index_cast %mul3A_182 : i32 to index
        %swap3A_246 = arith.constant 0 : index
        %swap3A_247 = vector.load %arg8[%swap3A_245, %swap3A_246] : memref<1024x128xi32, #tpu.memory_space<vmem>>, vector<32x1xi32>
        tpu.vector_store %arg8[%swap3A_245, %swap3A_246], %select_n3A_244 {strides = array<i32>} : memref<1024x128xi32, #tpu.memory_space<vmem>>, vector<32x1xi32>,
        %select_n3A_248 = arith.select %ge3A_240, %add3A_227, %get3A_194 : vector<32x1xi1>, vector<32x1xi32>
        %swap3A_249 = arith.index_cast %mul3A_182 : i32 to index
        %swap3A_250 = arith.constant 0 : index
        %swap3A_251 = vector.load %arg9[%swap3A_249, %swap3A_250] : memref<1024x128xi32, #tpu.memory_space<vmem>>, vector<32x1xi32>
        tpu.vector_store %arg9[%swap3A_249, %swap3A_250], %select_n3A_248 {strides = array<i32>} : memref<1024x128xi32, #tpu.memory_space<vmem>>, vector<32x1xi32>,
        %scan3A_252 = arith.constant 3 : i32
        %scan3A_253 = arith.addi %scan3A_49, %scan3A_252 : i32
        %mul3A_254 = arith.constant 32 : i32
        %mul3A_255 = arith.muli %scan3A_253, %mul3A_254 : i32
        %get3A_256 = arith.constant 0 : index
        %get3A_257 = arith.index_cast %mul3A_255 : i32 to index
        %get3A_258 = arith.constant 0 : index
        %get3A_259 = vector.load %arg5[%get3A_256, %get3A_257, %get3A_258] : memref<1x1024x1024xf32, #tpu.memory_space<vmem>>, vector<1x32x1024xf32>
        %get3A_260 = vector.shape_cast %get3A_259 : vector<1x32x1024xf32> to vector<32x1024xf32>
        %bitcast_convert_type3A_261 = tpu.bitcast %get3A_260 : vector<32x1024xf32> -> vector<32x1024xi32>
        %get3A_262 = arith.index_cast %mul3A_255 : i32 to index
        %get3A_263 = arith.constant 0 : index
        %get3A_264 = vector.load %arg8[%get3A_262, %get3A_263] : memref<1024x128xi32, #tpu.memory_space<vmem>>, vector<32x1xi32>
        %get3A_265 = arith.index_cast %mul3A_255 : i32 to index
        %get3A_266 = arith.constant 0 : index
        %get3A_267 = vector.load %arg9[%get3A_265, %get3A_266] : memref<1024x128xi32, #tpu.memory_space<vmem>>, vector<32x1xi32>
        %sub3A_268 = arith.subi %get3A_267, %get3A_264 : vector<32x1xi32>
        %jit3A_269 = arith.constant 2 : i32
        %div3A_270 = vector.broadcast %jit3A_269 : i32 to vector<32x1xi32>
        %div3A_271 = arith.divsi %sub3A_268, %div3A_270 : vector<32x1xi32>
        %sign3A_272 = arith.constant 0 : i32
        %sign3A_273 = vector.broadcast %sign3A_272 : i32 to vector<32x1xi32>
        %sign3A_274 = arith.cmpi sgt, %sub3A_268, %sign3A_273 : vector<32x1xi32>
        %sign3A_275 = arith.extui %sign3A_274 : vector<32x1xi1> to vector<32x1xi32>
        %sign3A_276 = arith.constant 0 : i32
        %sign3A_277 = vector.broadcast %sign3A_276 : i32 to vector<32x1xi32>
        %sign3A_278 = arith.cmpi slt, %sub3A_268, %sign3A_277 : vector<32x1xi32>
        %sign3A_279 = arith.extui %sign3A_278 : vector<32x1xi1> to vector<32x1xi32>
        %sign3A_280 = arith.subi %sign3A_275, %sign3A_279 : vector<32x1xi32>
        %sign3A_281 = arith.constant 0 : i32
        %sign3A_282 = arith.cmpi sgt, %jit3A_269, %sign3A_281 : i32
        %sign3A_283 = arith.extui %sign3A_282 : i1 to i32
        %sign3A_284 = arith.constant 0 : i32
        %sign3A_285 = arith.cmpi slt, %jit3A_269, %sign3A_284 : i32
        %sign3A_286 = arith.extui %sign3A_285 : i1 to i32
        %sign3A_287 = arith.subi %sign3A_283, %sign3A_286 : i32
        %ne3A_288 = vector.broadcast %sign3A_287 : i32 to vector<32x1xi32>
        %ne3A_289 = arith.cmpi ne, %sign3A_280, %ne3A_288 : vector<32x1xi32>
        %rem3A_290 = vector.broadcast %jit3A_269 : i32 to vector<32x1xi32>
        %rem3A_291 = arith.remsi %sub3A_268, %rem3A_290 : vector<32x1xi32>
        %ne3A_292 = arith.constant 0 : i32
        %ne3A_293 = vector.broadcast %ne3A_292 : i32 to vector<32x1xi32>
        %ne3A_294 = arith.cmpi ne, %rem3A_291, %ne3A_293 : vector<32x1xi32>
        %and3A_295 = arith.andi %ne3A_289, %ne3A_294 : vector<32x1xi1>
        %sub3A_296 = arith.constant 1 : i32
        %sub3A_297 = vector.broadcast %sub3A_296 : i32 to vector<32x1xi32>
        %sub3A_298 = arith.subi %div3A_271, %sub3A_297 : vector<32x1xi32>
        %select_n3A_299 = arith.select %and3A_295, %sub3A_298, %div3A_271 : vector<32x1xi1>, vector<32x1xi32>
        %add3A_300 = arith.addi %get3A_264, %select_n3A_299 : vector<32x1xi32>
        %le3A_301 = vector.broadcast %add3A_300 : vector<32x1xi32> to vector<32x1024xi32>
        %le3A_302 = arith.cmpi sle, %bitcast_convert_type3A_261, %le3A_301 : vector<32x1024xi32>
        %jit3A_303 = arith.constant 1 : i32
        %jit3A_304 = arith.constant 0 : i32
        %broadcast_in_dim3A_305 = vector.broadcast %jit3A_303 : i32 to vector<32x1024xi32>
        %broadcast_in_dim3A_306 = vector.broadcast %jit3A_304 : i32 to vector<32x1024xi32>
        %select_n3A_307 = arith.select %le3A_302, %broadcast_in_dim3A_305, %broadcast_in_dim3A_306 : vector<32x1024xi1>, vector<32x1024xi32>
        %reduce_sum3A_308 = arith.constant dense<0> : vector<32xi32>
        %reduce_sum3A_309 = vector.multi_reduction <add>, %select_n3A_307, %reduce_sum3A_308 [1] : vector<32x1024xi32> to vector<32xi32>
        %broadcast_in_dim3A_310 = vector.shape_cast %reduce_sum3A_309 : vector<32xi32> to vector<32x1xi32>
        %ge3A_311 = arith.constant 64 : i32
        %ge3A_312 = vector.broadcast %ge3A_311 : i32 to vector<32x1xi32>
        %ge3A_313 = arith.cmpi sge, %broadcast_in_dim3A_310, %ge3A_312 : vector<32x1xi32>
        %add3A_314 = arith.constant 1 : i32
        %add3A_315 = vector.broadcast %add3A_314 : i32 to vector<32x1xi32>
        %add3A_316 = arith.addi %add3A_300, %add3A_315 : vector<32x1xi32>
        %select_n3A_317 = arith.select %ge3A_313, %get3A_264, %add3A_316 : vector<32x1xi1>, vector<32x1xi32>
        %swap3A_318 = arith.index_cast %mul3A_255 : i32 to index
        %swap3A_319 = arith.constant 0 : index
        %swap3A_320 = vector.load %arg8[%swap3A_318, %swap3A_319] : memref<1024x128xi32, #tpu.memory_space<vmem>>, vector<32x1xi32>
        tpu.vector_store %arg8[%swap3A_318, %swap3A_319], %select_n3A_317 {strides = array<i32>} : memref<1024x128xi32, #tpu.memory_space<vmem>>, vector<32x1xi32>,
        %select_n3A_321 = arith.select %ge3A_313, %add3A_300, %get3A_267 : vector<32x1xi1>, vector<32x1xi32>
        %swap3A_322 = arith.index_cast %mul3A_255 : i32 to index
        %swap3A_323 = arith.constant 0 : index
        %swap3A_324 = vector.load %arg9[%swap3A_322, %swap3A_323] : memref<1024x128xi32, #tpu.memory_space<vmem>>, vector<32x1xi32>
        tpu.vector_store %arg9[%swap3A_322, %swap3A_323], %select_n3A_321 {strides = array<i32>} : memref<1024x128xi32, #tpu.memory_space<vmem>>, vector<32x1xi32>,
        %scan3A_325 = arith.constant 4 : i32
        %scan3A_326 = arith.addi %scan3A_49, %scan3A_325 : i32
        %mul3A_327 = arith.constant 32 : i32
        %mul3A_328 = arith.muli %scan3A_326, %mul3A_327 : i32
        %get3A_329 = arith.constant 0 : index
        %get3A_330 = arith.index_cast %mul3A_328 : i32 to index
        %get3A_331 = arith.constant 0 : index
        %get3A_332 = vector.load %arg5[%get3A_329, %get3A_330, %get3A_331] : memref<1x1024x1024xf32, #tpu.memory_space<vmem>>, vector<1x32x1024xf32>
        %get3A_333 = vector.shape_cast %get3A_332 : vector<1x32x1024xf32> to vector<32x1024xf32>
        %bitcast_convert_type3A_334 = tpu.bitcast %get3A_333 : vector<32x1024xf32> -> vector<32x1024xi32>
        %get3A_335 = arith.index_cast %mul3A_328 : i32 to index
        %get3A_336 = arith.constant 0 : index
        %get3A_337 = vector.load %arg8[%get3A_335, %get3A_336] : memref<1024x128xi32, #tpu.memory_space<vmem>>, vector<32x1xi32>
        %get3A_338 = arith.index_cast %mul3A_328 : i32 to index
        %get3A_339 = arith.constant 0 : index
        %get3A_340 = vector.load %arg9[%get3A_338, %get3A_339] : memref<1024x128xi32, #tpu.memory_space<vmem>>, vector<32x1xi32>
        %sub3A_341 = arith.subi %get3A_340, %get3A_337 : vector<32x1xi32>
        %jit3A_342 = arith.constant 2 : i32
        %div3A_343 = vector.broadcast %jit3A_342 : i32 to vector<32x1xi32>
        %div3A_344 = arith.divsi %sub3A_341, %div3A_343 : vector<32x1xi32>
        %sign3A_345 = arith.constant 0 : i32
        %sign3A_346 = vector.broadcast %sign3A_345 : i32 to vector<32x1xi32>
        %sign3A_347 = arith.cmpi sgt, %sub3A_341, %sign3A_346 : vector<32x1xi32>
        %sign3A_348 = arith.extui %sign3A_347 : vector<32x1xi1> to vector<32x1xi32>
        %sign3A_349 = arith.constant 0 : i32
        %sign3A_350 = vector.broadcast %sign3A_349 : i32 to vector<32x1xi32>
        %sign3A_351 = arith.cmpi slt, %sub3A_341, %sign3A_350 : vector<32x1xi32>
        %sign3A_352 = arith.extui %sign3A_351 : vector<32x1xi1> to vector<32x1xi32>
        %sign3A_353 = arith.subi %sign3A_348, %sign3A_352 : vector<32x1xi32>
        %sign3A_354 = arith.constant 0 : i32
        %sign3A_355 = arith.cmpi sgt, %jit3A_342, %sign3A_354 : i32
        %sign3A_356 = arith.extui %sign3A_355 : i1 to i32
        %sign3A_357 = arith.constant 0 : i32
        %sign3A_358 = arith.cmpi slt, %jit3A_342, %sign3A_357 : i32
        %sign3A_359 = arith.extui %sign3A_358 : i1 to i32
        %sign3A_360 = arith.subi %sign3A_356, %sign3A_359 : i32
        %ne3A_361 = vector.broadcast %sign3A_360 : i32 to vector<32x1xi32>
        %ne3A_362 = arith.cmpi ne, %sign3A_353, %ne3A_361 : vector<32x1xi32>
        %rem3A_363 = vector.broadcast %jit3A_342 : i32 to vector<32x1xi32>
        %rem3A_364 = arith.remsi %sub3A_341, %rem3A_363 : vector<32x1xi32>
        %ne3A_365 = arith.constant 0 : i32
        %ne3A_366 = vector.broadcast %ne3A_365 : i32 to vector<32x1xi32>
        %ne3A_367 = arith.cmpi ne, %rem3A_364, %ne3A_366 : vector<32x1xi32>
        %and3A_368 = arith.andi %ne3A_362, %ne3A_367 : vector<32x1xi1>
        %sub3A_369 = arith.constant 1 : i32
        %sub3A_370 = vector.broadcast %sub3A_369 : i32 to vector<32x1xi32>
        %sub3A_371 = arith.subi %div3A_344, %sub3A_370 : vector<32x1xi32>
        %select_n3A_372 = arith.select %and3A_368, %sub3A_371, %div3A_344 : vector<32x1xi1>, vector<32x1xi32>
        %add3A_373 = arith.addi %get3A_337, %select_n3A_372 : vector<32x1xi32>
        %le3A_374 = vector.broadcast %add3A_373 : vector<32x1xi32> to vector<32x1024xi32>
        %le3A_375 = arith.cmpi sle, %bitcast_convert_type3A_334, %le3A_374 : vector<32x1024xi32>
        %jit3A_376 = arith.constant 1 : i32
        %jit3A_377 = arith.constant 0 : i32
        %broadcast_in_dim3A_378 = vector.broadcast %jit3A_376 : i32 to vector<32x1024xi32>
        %broadcast_in_dim3A_379 = vector.broadcast %jit3A_377 : i32 to vector<32x1024xi32>
        %select_n3A_380 = arith.select %le3A_375, %broadcast_in_dim3A_378, %broadcast_in_dim3A_379 : vector<32x1024xi1>, vector<32x1024xi32>
        %reduce_sum3A_381 = arith.constant dense<0> : vector<32xi32>
        %reduce_sum3A_382 = vector.multi_reduction <add>, %select_n3A_380, %reduce_sum3A_381 [1] : vector<32x1024xi32> to vector<32xi32>
        %broadcast_in_dim3A_383 = vector.shape_cast %reduce_sum3A_382 : vector<32xi32> to vector<32x1xi32>
        %ge3A_384 = arith.constant 64 : i32
        %ge3A_385 = vector.broadcast %ge3A_384 : i32 to vector<32x1xi32>
        %ge3A_386 = arith.cmpi sge, %broadcast_in_dim3A_383, %ge3A_385 : vector<32x1xi32>
        %add3A_387 = arith.constant 1 : i32
        %add3A_388 = vector.broadcast %add3A_387 : i32 to vector<32x1xi32>
        %add3A_389 = arith.addi %add3A_373, %add3A_388 : vector<32x1xi32>
        %select_n3A_390 = arith.select %ge3A_386, %get3A_337, %add3A_389 : vector<32x1xi1>, vector<32x1xi32>
        %swap3A_391 = arith.index_cast %mul3A_328 : i32 to index
        %swap3A_392 = arith.constant 0 : index
        %swap3A_393 = vector.load %arg8[%swap3A_391, %swap3A_392] : memref<1024x128xi32, #tpu.memory_space<vmem>>, vector<32x1xi32>
        tpu.vector_store %arg8[%swap3A_391, %swap3A_392], %select_n3A_390 {strides = array<i32>} : memref<1024x128xi32, #tpu.memory_space<vmem>>, vector<32x1xi32>,
        %select_n3A_394 = arith.select %ge3A_386, %add3A_373, %get3A_340 : vector<32x1xi1>, vector<32x1xi32>
        %swap3A_395 = arith.index_cast %mul3A_328 : i32 to index
        %swap3A_396 = arith.constant 0 : index
        %swap3A_397 = vector.load %arg9[%swap3A_395, %swap3A_396] : memref<1024x128xi32, #tpu.memory_space<vmem>>, vector<32x1xi32>
        tpu.vector_store %arg9[%swap3A_395, %swap3A_396], %select_n3A_394 {strides = array<i32>} : memref<1024x128xi32, #tpu.memory_space<vmem>>, vector<32x1xi32>,
        %scan3A_398 = arith.constant 5 : i32
        %scan3A_399 = arith.addi %scan3A_49, %scan3A_398 : i32
        %mul3A_400 = arith.constant 32 : i32
        %mul3A_401 = arith.muli %scan3A_399, %mul3A_400 : i32
        %get3A_402 = arith.constant 0 : index
        %get3A_403 = arith.index_cast %mul3A_401 : i32 to index
        %get3A_404 = arith.constant 0 : index
        %get3A_405 = vector.load %arg5[%get3A_402, %get3A_403, %get3A_404] : memref<1x1024x1024xf32, #tpu.memory_space<vmem>>, vector<1x32x1024xf32>
        %get3A_406 = vector.shape_cast %get3A_405 : vector<1x32x1024xf32> to vector<32x1024xf32>
        %bitcast_convert_type3A_407 = tpu.bitcast %get3A_406 : vector<32x1024xf32> -> vector<32x1024xi32>
        %get3A_408 = arith.index_cast %mul3A_401 : i32 to index
        %get3A_409 = arith.constant 0 : index
        %get3A_410 = vector.load %arg8[%get3A_408, %get3A_409] : memref<1024x128xi32, #tpu.memory_space<vmem>>, vector<32x1xi32>
        %get3A_411 = arith.index_cast %mul3A_401 : i32 to index
        %get3A_412 = arith.constant 0 : index
        %get3A_413 = vector.load %arg9[%get3A_411, %get3A_412] : memref<1024x128xi32, #tpu.memory_space<vmem>>, vector<32x1xi32>
        %sub3A_414 = arith.subi %get3A_413, %get3A_410 : vector<32x1xi32>
        %jit3A_415 = arith.constant 2 : i32
        %div3A_416 = vector.broadcast %jit3A_415 : i32 to vector<32x1xi32>
        %div3A_417 = arith.divsi %sub3A_414, %div3A_416 : vector<32x1xi32>
        %sign3A_418 = arith.constant 0 : i32
        %sign3A_419 = vector.broadcast %sign3A_418 : i32 to vector<32x1xi32>
        %sign3A_420 = arith.cmpi sgt, %sub3A_414, %sign3A_419 : vector<32x1xi32>
        %sign3A_421 = arith.extui %sign3A_420 : vector<32x1xi1> to vector<32x1xi32>
        %sign3A_422 = arith.constant 0 : i32
        %sign3A_423 = vector.broadcast %sign3A_422 : i32 to vector<32x1xi32>
        %sign3A_424 = arith.cmpi slt, %sub3A_414, %sign3A_423 : vector<32x1xi32>
        %sign3A_425 = arith.extui %sign3A_424 : vector<32x1xi1> to vector<32x1xi32>
        %sign3A_426 = arith.subi %sign3A_421, %sign3A_425 : vector<32x1xi32>
        %sign3A_427 = arith.constant 0 : i32
        %sign3A_428 = arith.cmpi sgt, %jit3A_415, %sign3A_427 : i32
        %sign3A_429 = arith.extui %sign3A_428 : i1 to i32
        %sign3A_430 = arith.constant 0 : i32
        %sign3A_431 = arith.cmpi slt, %jit3A_415, %sign3A_430 : i32
        %sign3A_432 = arith.extui %sign3A_431 : i1 to i32
        %sign3A_433 = arith.subi %sign3A_429, %sign3A_432 : i32
        %ne3A_434 = vector.broadcast %sign3A_433 : i32 to vector<32x1xi32>
        %ne3A_435 = arith.cmpi ne, %sign3A_426, %ne3A_434 : vector<32x1xi32>
        %rem3A_436 = vector.broadcast %jit3A_415 : i32 to vector<32x1xi32>
        %rem3A_437 = arith.remsi %sub3A_414, %rem3A_436 : vector<32x1xi32>
        %ne3A_438 = arith.constant 0 : i32
        %ne3A_439 = vector.broadcast %ne3A_438 : i32 to vector<32x1xi32>
        %ne3A_440 = arith.cmpi ne, %rem3A_437, %ne3A_439 : vector<32x1xi32>
        %and3A_441 = arith.andi %ne3A_435, %ne3A_440 : vector<32x1xi1>
        %sub3A_442 = arith.constant 1 : i32
        %sub3A_443 = vector.broadcast %sub3A_442 : i32 to vector<32x1xi32>
        %sub3A_444 = arith.subi %div3A_417, %sub3A_443 : vector<32x1xi32>
        %select_n3A_445 = arith.select %and3A_441, %sub3A_444, %div3A_417 : vector<32x1xi1>, vector<32x1xi32>
        %add3A_446 = arith.addi %get3A_410, %select_n3A_445 : vector<32x1xi32>
        %le3A_447 = vector.broadcast %add3A_446 : vector<32x1xi32> to vector<32x1024xi32>
        %le3A_448 = arith.cmpi sle, %bitcast_convert_type3A_407, %le3A_447 : vector<32x1024xi32>
        %jit3A_449 = arith.constant 1 : i32
        %jit3A_450 = arith.constant 0 : i32
        %broadcast_in_dim3A_451 = vector.broadcast %jit3A_449 : i32 to vector<32x1024xi32>
        %broadcast_in_dim3A_452 = vector.broadcast %jit3A_450 : i32 to vector<32x1024xi32>
        %select_n3A_453 = arith.select %le3A_448, %broadcast_in_dim3A_451, %broadcast_in_dim3A_452 : vector<32x1024xi1>, vector<32x1024xi32>
        %reduce_sum3A_454 = arith.constant dense<0> : vector<32xi32>
        %reduce_sum3A_455 = vector.multi_reduction <add>, %select_n3A_453, %reduce_sum3A_454 [1] : vector<32x1024xi32> to vector<32xi32>
        %broadcast_in_dim3A_456 = vector.shape_cast %reduce_sum3A_455 : vector<32xi32> to vector<32x1xi32>
        %ge3A_457 = arith.constant 64 : i32
        %ge3A_458 = vector.broadcast %ge3A_457 : i32 to vector<32x1xi32>
        %ge3A_459 = arith.cmpi sge, %broadcast_in_dim3A_456, %ge3A_458 : vector<32x1xi32>
        %add3A_460 = arith.constant 1 : i32
        %add3A_461 = vector.broadcast %add3A_460 : i32 to vector<32x1xi32>
        %add3A_462 = arith.addi %add3A_446, %add3A_461 : vector<32x1xi32>
        %select_n3A_463 = arith.select %ge3A_459, %get3A_410, %add3A_462 : vector<32x1xi1>, vector<32x1xi32>
        %swap3A_464 = arith.index_cast %mul3A_401 : i32 to index
        %swap3A_465 = arith.constant 0 : index
        %swap3A_466 = vector.load %arg8[%swap3A_464, %swap3A_465] : memref<1024x128xi32, #tpu.memory_space<vmem>>, vector<32x1xi32>
        tpu.vector_store %arg8[%swap3A_464, %swap3A_465], %select_n3A_463 {strides = array<i32>} : memref<1024x128xi32, #tpu.memory_space<vmem>>, vector<32x1xi32>,
        %select_n3A_467 = arith.select %ge3A_459, %add3A_446, %get3A_413 : vector<32x1xi1>, vector<32x1xi32>
        %swap3A_468 = arith.index_cast %mul3A_401 : i32 to index
        %swap3A_469 = arith.constant 0 : index
        %swap3A_470 = vector.load %arg9[%swap3A_468, %swap3A_469] : memref<1024x128xi32, #tpu.memory_space<vmem>>, vector<32x1xi32>
        tpu.vector_store %arg9[%swap3A_468, %swap3A_469], %select_n3A_467 {strides = array<i32>} : memref<1024x128xi32, #tpu.memory_space<vmem>>, vector<32x1xi32>,
        %scan3A_471 = arith.constant 6 : i32
        %scan3A_472 = arith.addi %scan3A_49, %scan3A_471 : i32
        %mul3A_473 = arith.constant 32 : i32
        %mul3A_474 = arith.muli %scan3A_472, %mul3A_473 : i32
        %get3A_475 = arith.constant 0 : index
        %get3A_476 = arith.index_cast %mul3A_474 : i32 to index
        %get3A_477 = arith.constant 0 : index
        %get3A_478 = vector.load %arg5[%get3A_475, %get3A_476, %get3A_477] : memref<1x1024x1024xf32, #tpu.memory_space<vmem>>, vector<1x32x1024xf32>
        %get3A_479 = vector.shape_cast %get3A_478 : vector<1x32x1024xf32> to vector<32x1024xf32>
        %bitcast_convert_type3A_480 = tpu.bitcast %get3A_479 : vector<32x1024xf32> -> vector<32x1024xi32>
        %get3A_481 = arith.index_cast %mul3A_474 : i32 to index
        %get3A_482 = arith.constant 0 : index
        %get3A_483 = vector.load %arg8[%get3A_481, %get3A_482] : memref<1024x128xi32, #tpu.memory_space<vmem>>, vector<32x1xi32>
        %get3A_484 = arith.index_cast %mul3A_474 : i32 to index
        %get3A_485 = arith.constant 0 : index
        %get3A_486 = vector.load %arg9[%get3A_484, %get3A_485] : memref<1024x128xi32, #tpu.memory_space<vmem>>, vector<32x1xi32>
        %sub3A_487 = arith.subi %get3A_486, %get3A_483 : vector<32x1xi32>
        %jit3A_488 = arith.constant 2 : i32
        %div3A_489 = vector.broadcast %jit3A_488 : i32 to vector<32x1xi32>
        %div3A_490 = arith.divsi %sub3A_487, %div3A_489 : vector<32x1xi32>
        %sign3A_491 = arith.constant 0 : i32
        %sign3A_492 = vector.broadcast %sign3A_491 : i32 to vector<32x1xi32>
        %sign3A_493 = arith.cmpi sgt, %sub3A_487, %sign3A_492 : vector<32x1xi32>
        %sign3A_494 = arith.extui %sign3A_493 : vector<32x1xi1> to vector<32x1xi32>
        %sign3A_495 = arith.constant 0 : i32
        %sign3A_496 = vector.broadcast %sign3A_495 : i32 to vector<32x1xi32>
        %sign3A_497 = arith.cmpi slt, %sub3A_487, %sign3A_496 : vector<32x1xi32>
        %sign3A_498 = arith.extui %sign3A_497 : vector<32x1xi1> to vector<32x1xi32>
        %sign3A_499 = arith.subi %sign3A_494, %sign3A_498 : vector<32x1xi32>
        %sign3A_500 = arith.constant 0 : i32
        %sign3A_501 = arith.cmpi sgt, %jit3A_488, %sign3A_500 : i32
        %sign3A_502 = arith.extui %sign3A_501 : i1 to i32
        %sign3A_503 = arith.constant 0 : i32
        %sign3A_504 = arith.cmpi slt, %jit3A_488, %sign3A_503 : i32
        %sign3A_505 = arith.extui %sign3A_504 : i1 to i32
        %sign3A_506 = arith.subi %sign3A_502, %sign3A_505 : i32
        %ne3A_507 = vector.broadcast %sign3A_506 : i32 to vector<32x1xi32>
        %ne3A_508 = arith.cmpi ne, %sign3A_499, %ne3A_507 : vector<32x1xi32>
        %rem3A_509 = vector.broadcast %jit3A_488 : i32 to vector<32x1xi32>
        %rem3A_510 = arith.remsi %sub3A_487, %rem3A_509 : vector<32x1xi32>
        %ne3A_511 = arith.constant 0 : i32
        %ne3A_512 = vector.broadcast %ne3A_511 : i32 to vector<32x1xi32>
        %ne3A_513 = arith.cmpi ne, %rem3A_510, %ne3A_512 : vector<32x1xi32>
        %and3A_514 = arith.andi %ne3A_508, %ne3A_513 : vector<32x1xi1>
        %sub3A_515 = arith.constant 1 : i32
        %sub3A_516 = vector.broadcast %sub3A_515 : i32 to vector<32x1xi32>
        %sub3A_517 = arith.subi %div3A_490, %sub3A_516 : vector<32x1xi32>
        %select_n3A_518 = arith.select %and3A_514, %sub3A_517, %div3A_490 : vector<32x1xi1>, vector<32x1xi32>
        %add3A_519 = arith.addi %get3A_483, %select_n3A_518 : vector<32x1xi32>
        %le3A_520 = vector.broadcast %add3A_519 : vector<32x1xi32> to vector<32x1024xi32>
        %le3A_521 = arith.cmpi sle, %bitcast_convert_type3A_480, %le3A_520 : vector<32x1024xi32>
        %jit3A_522 = arith.constant 1 : i32
        %jit3A_523 = arith.constant 0 : i32
        %broadcast_in_dim3A_524 = vector.broadcast %jit3A_522 : i32 to vector<32x1024xi32>
        %broadcast_in_dim3A_525 = vector.broadcast %jit3A_523 : i32 to vector<32x1024xi32>
        %select_n3A_526 = arith.select %le3A_521, %broadcast_in_dim3A_524, %broadcast_in_dim3A_525 : vector<32x1024xi1>, vector<32x1024xi32>
        %reduce_sum3A_527 = arith.constant dense<0> : vector<32xi32>
        %reduce_sum3A_528 = vector.multi_reduction <add>, %select_n3A_526, %reduce_sum3A_527 [1] : vector<32x1024xi32> to vector<32xi32>
        %broadcast_in_dim3A_529 = vector.shape_cast %reduce_sum3A_528 : vector<32xi32> to vector<32x1xi32>
        %ge3A_530 = arith.constant 64 : i32
        %ge3A_531 = vector.broadcast %ge3A_530 : i32 to vector<32x1xi32>
        %ge3A_532 = arith.cmpi sge, %broadcast_in_dim3A_529, %ge3A_531 : vector<32x1xi32>
        %add3A_533 = arith.constant 1 : i32
        %add3A_534 = vector.broadcast %add3A_533 : i32 to vector<32x1xi32>
        %add3A_535 = arith.addi %add3A_519, %add3A_534 : vector<32x1xi32>
        %select_n3A_536 = arith.select %ge3A_532, %get3A_483, %add3A_535 : vector<32x1xi1>, vector<32x1xi32>
        %swap3A_537 = arith.index_cast %mul3A_474 : i32 to index
        %swap3A_538 = arith.constant 0 : index
        %swap3A_539 = vector.load %arg8[%swap3A_537, %swap3A_538] : memref<1024x128xi32, #tpu.memory_space<vmem>>, vector<32x1xi32>
        tpu.vector_store %arg8[%swap3A_537, %swap3A_538], %select_n3A_536 {strides = array<i32>} : memref<1024x128xi32, #tpu.memory_space<vmem>>, vector<32x1xi32>,
        %select_n3A_540 = arith.select %ge3A_532, %add3A_519, %get3A_486 : vector<32x1xi1>, vector<32x1xi32>
        %swap3A_541 = arith.index_cast %mul3A_474 : i32 to index
        %swap3A_542 = arith.constant 0 : index
        %swap3A_543 = vector.load %arg9[%swap3A_541, %swap3A_542] : memref<1024x128xi32, #tpu.memory_space<vmem>>, vector<32x1xi32>
        tpu.vector_store %arg9[%swap3A_541, %swap3A_542], %select_n3A_540 {strides = array<i32>} : memref<1024x128xi32, #tpu.memory_space<vmem>>, vector<32x1xi32>,
        %scan3A_544 = arith.constant 7 : i32
        %scan3A_545 = arith.addi %scan3A_49, %scan3A_544 : i32
        %mul3A_546 = arith.constant 32 : i32
        %mul3A_547 = arith.muli %scan3A_545, %mul3A_546 : i32
        %get3A_548 = arith.constant 0 : index
        %get3A_549 = arith.index_cast %mul3A_547 : i32 to index
        %get3A_550 = arith.constant 0 : index
        %get3A_551 = vector.load %arg5[%get3A_548, %get3A_549, %get3A_550] : memref<1x1024x1024xf32, #tpu.memory_space<vmem>>, vector<1x32x1024xf32>
        %get3A_552 = vector.shape_cast %get3A_551 : vector<1x32x1024xf32> to vector<32x1024xf32>
        %bitcast_convert_type3A_553 = tpu.bitcast %get3A_552 : vector<32x1024xf32> -> vector<32x1024xi32>
        %get3A_554 = arith.index_cast %mul3A_547 : i32 to index
        %get3A_555 = arith.constant 0 : index
        %get3A_556 = vector.load %arg8[%get3A_554, %get3A_555] : memref<1024x128xi32, #tpu.memory_space<vmem>>, vector<32x1xi32>
        %get3A_557 = arith.index_cast %mul3A_547 : i32 to index
        %get3A_558 = arith.constant 0 : index
        %get3A_559 = vector.load %arg9[%get3A_557, %get3A_558] : memref<1024x128xi32, #tpu.memory_space<vmem>>, vector<32x1xi32>
        %sub3A_560 = arith.subi %get3A_559, %get3A_556 : vector<32x1xi32>
        %jit3A_561 = arith.constant 2 : i32
        %div3A_562 = vector.broadcast %jit3A_561 : i32 to vector<32x1xi32>
        %div3A_563 = arith.divsi %sub3A_560, %div3A_562 : vector<32x1xi32>
        %sign3A_564 = arith.constant 0 : i32
        %sign3A_565 = vector.broadcast %sign3A_564 : i32 to vector<32x1xi32>
        %sign3A_566 = arith.cmpi sgt, %sub3A_560, %sign3A_565 : vector<32x1xi32>
        %sign3A_567 = arith.extui %sign3A_566 : vector<32x1xi1> to vector<32x1xi32>
        %sign3A_568 = arith.constant 0 : i32
        %sign3A_569 = vector.broadcast %sign3A_568 : i32 to vector<32x1xi32>
        %sign3A_570 = arith.cmpi slt, %sub3A_560, %sign3A_569 : vector<32x1xi32>
        %sign3A_571 = arith.extui %sign3A_570 : vector<32x1xi1> to vector<32x1xi32>
        %sign3A_572 = arith.subi %sign3A_567, %sign3A_571 : vector<32x1xi32>
        %sign3A_573 = arith.constant 0 : i32
        %sign3A_574 = arith.cmpi sgt, %jit3A_561, %sign3A_573 : i32
        %sign3A_575 = arith.extui %sign3A_574 : i1 to i32
        %sign3A_576 = arith.constant 0 : i32
        %sign3A_577 = arith.cmpi slt, %jit3A_561, %sign3A_576 : i32
        %sign3A_578 = arith.extui %sign3A_577 : i1 to i32
        %sign3A_579 = arith.subi %sign3A_575, %sign3A_578 : i32
        %ne3A_580 = vector.broadcast %sign3A_579 : i32 to vector<32x1xi32>
        %ne3A_581 = arith.cmpi ne, %sign3A_572, %ne3A_580 : vector<32x1xi32>
        %rem3A_582 = vector.broadcast %jit3A_561 : i32 to vector<32x1xi32>
        %rem3A_583 = arith.remsi %sub3A_560, %rem3A_582 : vector<32x1xi32>
        %ne3A_584 = arith.constant 0 : i32
        %ne3A_585 = vector.broadcast %ne3A_584 : i32 to vector<32x1xi32>
        %ne3A_586 = arith.cmpi ne, %rem3A_583, %ne3A_585 : vector<32x1xi32>
        %and3A_587 = arith.andi %ne3A_581, %ne3A_586 : vector<32x1xi1>
        %sub3A_588 = arith.constant 1 : i32
        %sub3A_589 = vector.broadcast %sub3A_588 : i32 to vector<32x1xi32>
        %sub3A_590 = arith.subi %div3A_563, %sub3A_589 : vector<32x1xi32>
        %select_n3A_591 = arith.select %and3A_587, %sub3A_590, %div3A_563 : vector<32x1xi1>, vector<32x1xi32>
        %add3A_592 = arith.addi %get3A_556, %select_n3A_591 : vector<32x1xi32>
        %le3A_593 = vector.broadcast %add3A_592 : vector<32x1xi32> to vector<32x1024xi32>
        %le3A_594 = arith.cmpi sle, %bitcast_convert_type3A_553, %le3A_593 : vector<32x1024xi32>
        %jit3A_595 = arith.constant 1 : i32
        %jit3A_596 = arith.constant 0 : i32
        %broadcast_in_dim3A_597 = vector.broadcast %jit3A_595 : i32 to vector<32x1024xi32>
        %broadcast_in_dim3A_598 = vector.broadcast %jit3A_596 : i32 to vector<32x1024xi32>
        %select_n3A_599 = arith.select %le3A_594, %broadcast_in_dim3A_597, %broadcast_in_dim3A_598 : vector<32x1024xi1>, vector<32x1024xi32>
        %reduce_sum3A_600 = arith.constant dense<0> : vector<32xi32>
        %reduce_sum3A_601 = vector.multi_reduction <add>, %select_n3A_599, %reduce_sum3A_600 [1] : vector<32x1024xi32> to vector<32xi32>
        %broadcast_in_dim3A_602 = vector.shape_cast %reduce_sum3A_601 : vector<32xi32> to vector<32x1xi32>
        %ge3A_603 = arith.constant 64 : i32
        %ge3A_604 = vector.broadcast %ge3A_603 : i32 to vector<32x1xi32>
        %ge3A_605 = arith.cmpi sge, %broadcast_in_dim3A_602, %ge3A_604 : vector<32x1xi32>
        %add3A_606 = arith.constant 1 : i32
        %add3A_607 = vector.broadcast %add3A_606 : i32 to vector<32x1xi32>
        %add3A_608 = arith.addi %add3A_592, %add3A_607 : vector<32x1xi32>
        %select_n3A_609 = arith.select %ge3A_605, %get3A_556, %add3A_608 : vector<32x1xi1>, vector<32x1xi32>
        %swap3A_610 = arith.index_cast %mul3A_547 : i32 to index
        %swap3A_611 = arith.constant 0 : index
        %swap3A_612 = vector.load %arg8[%swap3A_610, %swap3A_611] : memref<1024x128xi32, #tpu.memory_space<vmem>>, vector<32x1xi32>
        tpu.vector_store %arg8[%swap3A_610, %swap3A_611], %select_n3A_609 {strides = array<i32>} : memref<1024x128xi32, #tpu.memory_space<vmem>>, vector<32x1xi32>,
        %select_n3A_613 = arith.select %ge3A_605, %add3A_592, %get3A_559 : vector<32x1xi1>, vector<32x1xi32>
        %swap3A_614 = arith.index_cast %mul3A_547 : i32 to index
        %swap3A_615 = arith.constant 0 : index
        %swap3A_616 = vector.load %arg9[%swap3A_614, %swap3A_615] : memref<1024x128xi32, #tpu.memory_space<vmem>>, vector<32x1xi32>
        tpu.vector_store %arg9[%swap3A_614, %swap3A_615], %select_n3A_613 {strides = array<i32>} : memref<1024x128xi32, #tpu.memory_space<vmem>>, vector<32x1xi32>,
      }
      %scan3A_48 = arith.constant 32 : i32
    }
    %scan3A_22 = arith.constant 0 : i32
    %scan3A_23 = arith.constant 64 : i32
    %scan3A_24 = arith.addi %scan3A_22, %scan3A_23 : i32
    %scan3A_25 = arith.constant 1 : i32
    scf.for %scan3A_43 = %scan3A_22 to %scan3A_24 step %scan3A_25  : i32 {
      %mul3A = arith.constant 16 : i32
      %mul3A_44 = arith.muli %scan3A_43, %mul3A : i32
      %get3A_45 = arith.index_cast %mul3A_44 : i32 to index
      %get3A_46 = arith.constant 0 : index
      %get3A_47 = vector.load %arg9[%get3A_45, %get3A_46] : memref<1024x128xi32, #tpu.memory_space<vmem>>, vector<16x1xi32>
      %bitcast_convert_type3A = tpu.bitcast %get3A_47 : vector<16x1xi32> -> vector<16x1xf32>
      %broadcast_in_dim3A = vector.shape_cast %bitcast_convert_type3A : vector<16x1xf32> to vector<16x1xf32>
      %broadcast_in_dim3A_48 = vector.broadcast %broadcast_in_dim3A : vector<16x1xf32> to vector<16x16xf32>
      %swap3A_49 = arith.constant 0 : index
      %swap3A_50 = arith.index_cast %mul3A_44 : i32 to index
      %swap3A_51 = arith.constant 0 : index
      %swap3A_52 = vector.load %arg6[%swap3A_49, %swap3A_50, %swap3A_51] : memref<1x1024x16xf32, #tpu.memory_space<vmem>>, vector<1x16x16xf32>
      %swap3A_53 = vector.shape_cast %swap3A_52 : vector<1x16x16xf32> to vector<16x16xf32>
      %swap3A_54 = vector.shape_cast %broadcast_in_dim3A_48 : vector<16x16xf32> to vector<1x16x16xf32>
      tpu.vector_store %arg6[%swap3A_49, %swap3A_50, %swap3A_51], %swap3A_54 {strides = array<i32>} : memref<1x1024x16xf32, #tpu.memory_space<vmem>>, vector<1x16x16xf32>,
    }
    %scan3A_26 = arith.constant 64 : i32
    %get3A_27 = arith.constant 0 : index
    %get3A_28 = arith.constant 0 : index
    %get3A_29 = arith.constant 0 : index
    %get3A_30 = vector.load %arg3[%get3A_27, %get3A_28, %get3A_29] : memref<1x1024x1xi32, #tpu.memory_space<vmem>>, vector<1x1024x1xi32>
    %get3A_31 = vector.shape_cast %get3A_30 : vector<1x1024x1xi32> to vector<1024x1xi32>
    %iota3A = tpu.iota {dimensions = array<i32: 1>} : vector<1024x32xi32>
    %eq3A = vector.broadcast %get3A_31 : vector<1024x1xi32> to vector<1024x32xi32>
    %eq3A_32 = arith.cmpi eq, %eq3A, %iota3A : vector<1024x32xi32>
    %convert_element_type3A = arith.extui %eq3A_32 : vector<1024x32xi1> to vector<1024x32xi32>
    %convert_element_type3A_33 = arith.sitofp %convert_element_type3A : vector<1024x32xi32> to vector<1024x32xf32>
    %get3A_34 = arith.constant 0 : index
    %get3A_35 = arith.constant 0 : index
    %get3A_36 = vector.load %arg4[%get3A_34, %get3A_35] : memref<32x16xf32, #tpu.memory_space<vmem>>, vector<32x16xf32>
    %dot_general3A = arith.constant dense<0.000000e+00> : vector<1024x16xf32>
    %dot_general3A_37 = tpu.matmul %convert_element_type3A_33, %get3A_36, %dot_general3A {dimension_numbers = #tpu.dot_dimension_numbers<[1], [0], [0], [1], [0, 0, 1, 1], [], []>, transpose_lhs_hint = false} : vector<1024x32xf32>, vector<32x16xf32>, vector<1024x16xf32> -> vector<1024x16xf32>
    %swap3A = arith.constant 0 : index
    %swap3A_38 = arith.constant 0 : index
    %swap3A_39 = arith.constant 0 : index
    %swap3A_40 = vector.load %arg7[%swap3A, %swap3A_38, %swap3A_39] : memref<1x1024x16xf32, #tpu.memory_space<vmem>>, vector<1x1024x16xf32>
    %swap3A_41 = vector.shape_cast %swap3A_40 : vector<1x1024x16xf32> to vector<1024x16xf32>
    %swap3A_42 = vector.shape_cast %dot_general3A_37 : vector<1024x16xf32> to vector<1x1024x16xf32>
    tpu.vector_store %arg7[%swap3A, %swap3A_38, %swap3A_39], %swap3A_42 {strides = array<i32>} : memref<1x1024x16xf32, #tpu.memory_space<vmem>>, vector<1x1024x16xf32>,
    return
  }
  func.func @transform_0(%arg0: i32) -> (i32, i32, i32) {
    %c0_i32 = arith.constant 0 : i32
    %c0_i32_0 = arith.constant 0 : i32
    %c0_i32_1 = arith.constant 0 : i32
    return %arg0, %c0_i32, %c0_i32_0 : i32, i32, i32
  }
  func.func @transform_1(%arg0: i32) -> (i32, i32, i32) {
    %c0_i32 = arith.constant 0 : i32
    %c0_i32_0 = arith.constant 0 : i32
    %c0_i32_1 = arith.constant 0 : i32
    return %arg0, %c0_i32, %c0_i32_0 : i32, i32, i32
  }
  func.func @transform_2(%arg0: i32) -> (i32, i32, i32) {
    %c0_i32 = arith.constant 0 : i32
    %c0_i32_0 = arith.constant 0 : i32
    %c0_i32_1 = arith.constant 0 : i32
    return %arg0, %c0_i32, %c0_i32_0 : i32, i32, i32
  }
  func.func @transform_3(%arg0: i32) -> (i32, i32) {
    %c0_i32 = arith.constant 0 : i32
    %c0_i32_0 = arith.constant 0 : i32
    %c0_i32_1 = arith.constant 0 : i32
    return %c0_i32, %c0_i32_0 : i32, i32
  }
  func.func @transform_4(%arg0: i32) -> (i32, i32, i32) {
    %c0_i32 = arith.constant 0 : i32
    %c0_i32_0 = arith.constant 0 : i32
    %c0_i32_1 = arith.constant 0 : i32
    return %arg0, %c0_i32, %c0_i32_0 : i32, i32, i32
  }
  func.func @transform_5(%arg0: i32) -> (i32, i32, i32) {
    %c0_i32 = arith.constant 0 : i32
    %c0_i32_0 = arith.constant 0 : i32
    %c0_i32_1 = arith.constant 0 : i32
    return %arg0, %c0_i32, %c0_i32_0 : i32, i32, i32
  }
  func.func @transform_6(%arg0: i32) -> (i32, i32, i32) {
    %c0_i32 = arith.constant 0 : i32
    %c0_i32_0 = arith.constant 0 : i32
    %c0_i32_1 = arith.constant 0 : i32
    return %arg0, %c0_i32, %c0_i32_0 : i32, i32, i32
  }
}

module attributes {stable_mosaic.version = 14 : i64} {
  func.func @_mlp_body(%arg0: i32, %arg1: i32, %arg2: memref<1x128x16xf32, #tpu.memory_space<vmem>>, %arg3: memref<1x8192x16xf32, #tpu.memory_space<vmem>>, %arg4: memref<1x1x8192xf32, #tpu.memory_space<vmem>>, %arg5: memref<48x128xf32, #tpu.memory_space<vmem>>, %arg6: memref<1x128xf32, #tpu.memory_space<vmem>>, %arg7: memref<128x128xf32, #tpu.memory_space<vmem>>, %arg8: memref<1x128xf32, #tpu.memory_space<vmem>>, %arg9: memref<128x8xf32, #tpu.memory_space<vmem>>, %arg10: memref<8x1xf32, #tpu.memory_space<vmem>>, %arg11: memref<1x8x128xf32, #tpu.memory_space<vmem>>) attributes {dimension_semantics = [#tpu.dimension_semantics<parallel>, #tpu.dimension_semantics<arbitrary>], iteration_bounds = array<i64: 16, 8>, scalar_prefetch = 0 : i64, scratch_operands = 0 : i64, tpu.core_type = #tpu.core_type<tc>, window_params = [{transform_indices = @transform_0, window_bounds = array<i64: 1, 128, 16>}, {transform_indices = @transform_1, window_bounds = array<i64: 1, 8192, 16>}, {transform_indices = @transform_2, window_bounds = array<i64: 1, 1, 8192>}, {pipeline_mode = #tpu.pipeline_mode<synchronous>, transform_indices = @transform_3, window_bounds = array<i64: 48, 128>}, {pipeline_mode = #tpu.pipeline_mode<synchronous>, transform_indices = @transform_4, window_bounds = array<i64: 1, 128>}, {pipeline_mode = #tpu.pipeline_mode<synchronous>, transform_indices = @transform_5, window_bounds = array<i64: 128, 128>}, {pipeline_mode = #tpu.pipeline_mode<synchronous>, transform_indices = @transform_6, window_bounds = array<i64: 1, 128>}, {pipeline_mode = #tpu.pipeline_mode<synchronous>, transform_indices = @transform_7, window_bounds = array<i64: 128, 8>}, {pipeline_mode = #tpu.pipeline_mode<synchronous>, transform_indices = @transform_8, window_bounds = array<i64: 8, 1>}, {transform_indices = @transform_9, window_bounds = array<i64: 1, 8, 128>}]} {
    %get3A = arith.constant 0 : index
    %get3A_0 = arith.constant 0 : index
    %get3A_1 = arith.constant 0 : index
    %get3A_2 = vector.load %arg3[%get3A, %get3A_0, %get3A_1] : memref<1x8192x16xf32, #tpu.memory_space<vmem>>, vector<1x8192x16xf32>
    %get3A_3 = vector.shape_cast %get3A_2 : vector<1x8192x16xf32> to vector<8192x16xf32>
    %get3A_4 = arith.constant 0 : index
    %get3A_5 = arith.constant 0 : index
    %get3A_6 = arith.constant 0 : index
    %get3A_7 = vector.load %arg2[%get3A_4, %get3A_5, %get3A_6] : memref<1x128x16xf32, #tpu.memory_space<vmem>>, vector<1x128x16xf32>
    %get3A_8 = vector.shape_cast %get3A_7 : vector<1x128x16xf32> to vector<128x16xf32>
    %broadcast_in_dim3A = vector.shape_cast %get3A_8 : vector<128x16xf32> to vector<128x1x16xf32>
    %broadcast_in_dim3A_9 = vector.shape_cast %broadcast_in_dim3A : vector<128x1x16xf32> to vector<128x1x16xf32>
    %broadcast_in_dim3A_10 = vector.broadcast %broadcast_in_dim3A_9 : vector<128x1x16xf32> to vector<128x64x16xf32>
    %reshape3A = vector.shape_cast %broadcast_in_dim3A_10 : vector<128x64x16xf32> to vector<8192x16xf32>
    %mul3A = arith.mulf %reshape3A, %get3A_3 : vector<8192x16xf32>
    %concatenate3A = tpu.concatenate %reshape3A, %get3A_3, %mul3A in 1 : vector<8192x16xf32>, vector<8192x16xf32>, vector<8192x16xf32> -> vector<8192x48xf32>
    %convert_element_type3A = arith.truncf %concatenate3A : vector<8192x48xf32> to vector<8192x48xbf16>
    %get3A_11 = arith.constant 0 : index
    %get3A_12 = arith.constant 0 : index
    %get3A_13 = vector.load %arg5[%get3A_11, %get3A_12] : memref<48x128xf32, #tpu.memory_space<vmem>>, vector<48x128xf32>
    %convert_element_type3A_14 = arith.truncf %get3A_13 : vector<48x128xf32> to vector<48x128xbf16>
    %dot_general3A = arith.constant dense<0.000000e+00> : vector<8192x128xf32>
    %dot_general3A_15 = tpu.matmul %convert_element_type3A, %convert_element_type3A_14, %dot_general3A {dimension_numbers = #tpu.dot_dimension_numbers<[1], [0], [0], [1], [0, 0, 1, 1], [], []>, transpose_lhs_hint = false} : vector<8192x48xbf16>, vector<48x128xbf16>, vector<8192x128xf32> -> vector<8192x128xf32>
    %get3A_16 = arith.constant 0 : index
    %get3A_17 = arith.constant 0 : index
    %get3A_18 = vector.load %arg6[%get3A_16, %get3A_17] : memref<1x128xf32, #tpu.memory_space<vmem>>, vector<1x128xf32>
    %add3A = vector.broadcast %get3A_18 : vector<1x128xf32> to vector<8192x128xf32>
    %add3A_19 = arith.addf %dot_general3A_15, %add3A : vector<8192x128xf32>
    %max3A = arith.constant 0.000000e+00 : f32
    %max3A_20 = vector.broadcast %max3A : f32 to vector<8192x128xf32>
    %max3A_21 = arith.maximumf %add3A_19, %max3A_20 : vector<8192x128xf32>
    %convert_element_type3A_22 = arith.truncf %max3A_21 : vector<8192x128xf32> to vector<8192x128xbf16>
    %get3A_23 = arith.constant 0 : index
    %get3A_24 = arith.constant 0 : index
    %get3A_25 = vector.load %arg7[%get3A_23, %get3A_24] : memref<128x128xf32, #tpu.memory_space<vmem>>, vector<128x128xf32>
    %convert_element_type3A_26 = arith.truncf %get3A_25 : vector<128x128xf32> to vector<128x128xbf16>
    %dot_general3A_27 = arith.constant dense<0.000000e+00> : vector<8192x128xf32>
    %dot_general3A_28 = tpu.matmul %convert_element_type3A_22, %convert_element_type3A_26, %dot_general3A_27 {dimension_numbers = #tpu.dot_dimension_numbers<[1], [0], [0], [1], [0, 0, 1, 1], [], []>, transpose_lhs_hint = false} : vector<8192x128xbf16>, vector<128x128xbf16>, vector<8192x128xf32> -> vector<8192x128xf32>
    %get3A_29 = arith.constant 0 : index
    %get3A_30 = arith.constant 0 : index
    %get3A_31 = vector.load %arg8[%get3A_29, %get3A_30] : memref<1x128xf32, #tpu.memory_space<vmem>>, vector<1x128xf32>
    %add3A_32 = vector.broadcast %get3A_31 : vector<1x128xf32> to vector<8192x128xf32>
    %add3A_33 = arith.addf %dot_general3A_28, %add3A_32 : vector<8192x128xf32>
    %max3A_34 = arith.constant 0.000000e+00 : f32
    %max3A_35 = vector.broadcast %max3A_34 : f32 to vector<8192x128xf32>
    %max3A_36 = arith.maximumf %add3A_33, %max3A_35 : vector<8192x128xf32>
    %get3A_37 = arith.constant 0 : index
    %get3A_38 = arith.constant 0 : index
    %get3A_39 = vector.load %arg9[%get3A_37, %get3A_38] : memref<128x8xf32, #tpu.memory_space<vmem>>, vector<128x8xf32>
    %convert_element_type3A_40 = arith.truncf %get3A_39 : vector<128x8xf32> to vector<128x8xbf16>
    %convert_element_type3A_41 = arith.truncf %max3A_36 : vector<8192x128xf32> to vector<8192x128xbf16>
    %dot_general3A_42 = arith.constant dense<0.000000e+00> : vector<8x8192xf32>
    %dot_general3A_43 = tpu.matmul %convert_element_type3A_40, %convert_element_type3A_41, %dot_general3A_42 {dimension_numbers = #tpu.dot_dimension_numbers<[0], [1], [1], [0], [0, 1, 1, 0], [], []>, transpose_lhs_hint = false} : vector<128x8xbf16>, vector<8192x128xbf16>, vector<8x8192xf32> -> vector<8x8192xf32>
    %get3A_44 = arith.constant 0 : index
    %get3A_45 = arith.constant 0 : index
    %get3A_46 = vector.load %arg10[%get3A_44, %get3A_45] : memref<8x1xf32, #tpu.memory_space<vmem>>, vector<8x1xf32>
    %add3A_47 = vector.broadcast %get3A_46 : vector<8x1xf32> to vector<8x8192xf32>
    %add3A_48 = arith.addf %dot_general3A_43, %add3A_47 : vector<8x8192xf32>
    %get3A_49 = arith.constant 0 : index
    %get3A_50 = arith.constant 0 : index
    %get3A_51 = arith.constant 0 : index
    %get3A_52 = vector.load %arg4[%get3A_49, %get3A_50, %get3A_51] : memref<1x1x8192xf32, #tpu.memory_space<vmem>>, vector<1x1x8192xf32>
    %get3A_53 = vector.shape_cast %get3A_52 : vector<1x1x8192xf32> to vector<1x8192xf32>
    %add3A_54 = arith.constant 9.99999996E-13 : f32
    %add3A_55 = vector.broadcast %add3A_54 : f32 to vector<1x8192xf32>
    %add3A_56 = arith.addf %get3A_53, %add3A_55 : vector<1x8192xf32>
    %sqrt3A = math.sqrt %add3A_56 : vector<1x8192xf32>
    %sub3A = arith.constant 1.200000e+01 : f32
    %sub3A_57 = vector.broadcast %sub3A : f32 to vector<1x8192xf32>
    %sub3A_58 = arith.subf %sub3A_57, %sqrt3A : vector<1x8192xf32>
    %mul3A_59 = arith.constant 5.000000e-01 : f32
    %mul3A_60 = vector.broadcast %mul3A_59 : f32 to vector<1x8192xf32>
    %mul3A_61 = arith.mulf %sub3A_58, %mul3A_60 : vector<1x8192xf32>
    %jit3A = arith.constant 0.000000e+00 : f32
    %jit3A_62 = arith.constant 1.000000e+00 : f32
    %max3A_63 = vector.broadcast %jit3A : f32 to vector<1x8192xf32>
    %max3A_64 = arith.maximumf %max3A_63, %mul3A_61 : vector<1x8192xf32>
    %min3A = vector.broadcast %jit3A_62 : f32 to vector<1x8192xf32>
    %min3A_65 = arith.minimumf %min3A, %max3A_64 : vector<1x8192xf32>
    %mul3A_66 = arith.mulf %min3A_65, %min3A_65 : vector<1x8192xf32>
    %mul3A_67 = arith.constant 2.000000e+00 : f32
    %mul3A_68 = vector.broadcast %mul3A_67 : f32 to vector<1x8192xf32>
    %mul3A_69 = arith.mulf %mul3A_68, %min3A_65 : vector<1x8192xf32>
    %sub3A_70 = arith.constant 3.000000e+00 : f32
    %sub3A_71 = vector.broadcast %sub3A_70 : f32 to vector<1x8192xf32>
    %sub3A_72 = arith.subf %sub3A_71, %mul3A_69 : vector<1x8192xf32>
    %mul3A_73 = arith.mulf %mul3A_66, %sub3A_72 : vector<1x8192xf32>
    %broadcast_in_dim3A_74 = vector.shape_cast %sqrt3A : vector<1x8192xf32> to vector<1x8192xf32>
    %broadcast_in_dim3A_75 = vector.broadcast %broadcast_in_dim3A_74 : vector<1x8192xf32> to vector<8x8192xf32>
    %broadcast_in_dim3A_76 = vector.shape_cast %mul3A_73 : vector<1x8192xf32> to vector<1x8192xf32>
    %broadcast_in_dim3A_77 = vector.broadcast %broadcast_in_dim3A_76 : vector<1x8192xf32> to vector<8x8192xf32>
    %iota3A = tpu.iota {dimensions = array<i32: 0>} : vector<8x8192xi32>
    %eq3A = arith.constant 7 : i32
    %eq3A_78 = vector.broadcast %eq3A : i32 to vector<8x8192xi32>
    %eq3A_79 = arith.cmpi eq, %iota3A, %eq3A_78 : vector<8x8192xi32>
    %convert_element_type3A_80 = arith.sitofp %iota3A : vector<8x8192xi32> to vector<8x8192xf32>
    %add3A_81 = arith.constant 5.000000e+00 : f32
    %add3A_82 = vector.broadcast %add3A_81 : f32 to vector<8x8192xf32>
    %add3A_83 = arith.addf %convert_element_type3A_80, %add3A_82 : vector<8x8192xf32>
    %jit3A_84 = arith.constant 9.99999984E+17 : f32
    %broadcast_in_dim3A_85 = vector.broadcast %jit3A_84 : f32 to vector<8x8192xf32>
    %select_n3A = arith.select %eq3A_79, %broadcast_in_dim3A_85, %add3A_83 : vector<8x8192xi1>, vector<8x8192xf32>
    %max3A_86 = arith.constant 0.000000e+00 : f32
    %max3A_87 = vector.broadcast %max3A_86 : f32 to vector<8x8192xf32>
    %max3A_88 = arith.maximumf %add3A_48, %max3A_87 : vector<8x8192xf32>
    %abs3A = math.absf %add3A_48 : vector<8x8192xf32>
    %neg3A = arith.constant 0.000000e+00 : f32
    %neg3A_89 = vector.broadcast %neg3A : f32 to vector<8x8192xf32>
    %neg3A_90 = arith.subf %neg3A_89, %abs3A : vector<8x8192xf32>
    %exp3A = math.exp %neg3A_90 : vector<8x8192xf32>
    %log1p3A = math.log1p %exp3A : vector<8x8192xf32>
    %add3A_91 = arith.addf %max3A_88, %log1p3A : vector<8x8192xf32>
    %sub3A_92 = arith.subf %broadcast_in_dim3A_75, %select_n3A : vector<8x8192xf32>
    %mul3A_93 = arith.mulf %sub3A_92, %sub3A_92 : vector<8x8192xf32>
    %mul3A_94 = arith.constant -2.000000e+00 : f32
    %mul3A_95 = vector.broadcast %mul3A_94 : f32 to vector<8x8192xf32>
    %mul3A_96 = arith.mulf %mul3A_93, %mul3A_95 : vector<8x8192xf32>
    %exp3A_97 = math.exp %mul3A_96 : vector<8x8192xf32>
    %mul3A_98 = arith.mulf %add3A_91, %exp3A_97 : vector<8x8192xf32>
    %mul3A_99 = arith.mulf %mul3A_98, %broadcast_in_dim3A_77 : vector<8x8192xf32>
    %reduce_sum3A = vector.shape_cast %mul3A_99 : vector<8x8192xf32> to vector<1x8x8192xf32>
    %reduce_sum3A_100 = arith.constant dense<0.000000e+00> : vector<1xf32>
    %reduce_sum3A_101 = vector.multi_reduction <add>, %reduce_sum3A, %reduce_sum3A_100 [1, 2] : vector<1x8x8192xf32> to vector<1xf32>
    %reduce_sum3A_102 = vector.shape_cast %reduce_sum3A_101 : vector<1xf32> to vector<1x1x1xf32>
    %reduce_sum3A_103 = vector.extract %reduce_sum3A_102[0, 0, 0] : f32 from vector<1x1x1xf32>
    %neg3A_104 = arith.constant 0.000000e+00 : f32
    %neg3A_105 = arith.subf %neg3A_104, %reduce_sum3A_103 : f32
    %broadcast_in_dim3A_106 = vector.broadcast %neg3A_105 : f32 to vector<1x8x128xf32>
    %eq3A_107 = arith.constant 0 : i32
    %eq3A_108 = arith.cmpi eq, %arg1, %eq3A_107 : i32
    %convert_element_type3A_109 = arith.extui %eq3A_108 : i1 to i32
    %cond3A = arith.constant 0 : i32
    %cond3A_110 = arith.cmpi ne, %convert_element_type3A_109, %cond3A : i32
    scf.if %cond3A_110 {
      %swap3A = arith.constant 0 : index
      %swap3A_115 = arith.constant 0 : index
      %swap3A_116 = arith.constant 0 : index
      %swap3A_117 = vector.load %arg11[%swap3A, %swap3A_115, %swap3A_116] : memref<1x8x128xf32, #tpu.memory_space<vmem>>, vector<1x8x128xf32>
      tpu.vector_store %arg11[%swap3A, %swap3A_115, %swap3A_116], %broadcast_in_dim3A_106 {strides = array<i32>} : memref<1x8x128xf32, #tpu.memory_space<vmem>>, vector<1x8x128xf32>,
    } else {
    }
    %ne3A = arith.constant 0 : i32
    %ne3A_111 = arith.cmpi ne, %arg1, %ne3A : i32
    %convert_element_type3A_112 = arith.extui %ne3A_111 : i1 to i32
    %cond3A_113 = arith.constant 0 : i32
    %cond3A_114 = arith.cmpi ne, %convert_element_type3A_112, %cond3A_113 : i32
    scf.if %cond3A_114 {
      %get3A_115 = arith.constant 0 : index
      %get3A_116 = arith.constant 0 : index
      %get3A_117 = arith.constant 0 : index
      %get3A_118 = vector.load %arg11[%get3A_115, %get3A_116, %get3A_117] : memref<1x8x128xf32, #tpu.memory_space<vmem>>, vector<1x8x128xf32>
      %add3A_119 = arith.addf %get3A_118, %broadcast_in_dim3A_106 : vector<1x8x128xf32>
      %swap3A = arith.constant 0 : index
      %swap3A_120 = arith.constant 0 : index
      %swap3A_121 = arith.constant 0 : index
      %swap3A_122 = vector.load %arg11[%swap3A, %swap3A_120, %swap3A_121] : memref<1x8x128xf32, #tpu.memory_space<vmem>>, vector<1x8x128xf32>
      tpu.vector_store %arg11[%swap3A, %swap3A_120, %swap3A_121], %add3A_119 {strides = array<i32>} : memref<1x8x128xf32, #tpu.memory_space<vmem>>, vector<1x8x128xf32>,
    } else {
    }
    return
  }
  func.func @transform_0(%arg0: i32, %arg1: i32) -> (i32, i32, i32) {
    %c0_i32 = arith.constant 0 : i32
    %c0_i32_0 = arith.constant 0 : i32
    return %arg0, %arg1, %c0_i32 : i32, i32, i32
  }
  func.func @transform_1(%arg0: i32, %arg1: i32) -> (i32, i32, i32) {
    %c0_i32 = arith.constant 0 : i32
    %c0_i32_0 = arith.constant 0 : i32
    return %arg0, %arg1, %c0_i32 : i32, i32, i32
  }
  func.func @transform_2(%arg0: i32, %arg1: i32) -> (i32, i32, i32) {
    %mul3A = arith.constant 8 : i32
    %mul3A_0 = arith.muli %arg0, %mul3A : i32
    %add3A = arith.addi %mul3A_0, %arg1 : i32
    %c0_i32 = arith.constant 0 : i32
    %c0_i32_1 = arith.constant 0 : i32
    %c0_i32_2 = arith.constant 0 : i32
    return %add3A, %c0_i32, %c0_i32_1 : i32, i32, i32
  }
  func.func @transform_3(%arg0: i32, %arg1: i32) -> (i32, i32) {
    %c0_i32 = arith.constant 0 : i32
    %c0_i32_0 = arith.constant 0 : i32
    %c0_i32_1 = arith.constant 0 : i32
    return %c0_i32, %c0_i32_0 : i32, i32
  }
  func.func @transform_4(%arg0: i32, %arg1: i32) -> (i32, i32) {
    %c0_i32 = arith.constant 0 : i32
    %c0_i32_0 = arith.constant 0 : i32
    %c0_i32_1 = arith.constant 0 : i32
    return %c0_i32, %c0_i32_0 : i32, i32
  }
  func.func @transform_5(%arg0: i32, %arg1: i32) -> (i32, i32) {
    %c0_i32 = arith.constant 0 : i32
    %c0_i32_0 = arith.constant 0 : i32
    %c0_i32_1 = arith.constant 0 : i32
    return %c0_i32, %c0_i32_0 : i32, i32
  }
  func.func @transform_6(%arg0: i32, %arg1: i32) -> (i32, i32) {
    %c0_i32 = arith.constant 0 : i32
    %c0_i32_0 = arith.constant 0 : i32
    %c0_i32_1 = arith.constant 0 : i32
    return %c0_i32, %c0_i32_0 : i32, i32
  }
  func.func @transform_7(%arg0: i32, %arg1: i32) -> (i32, i32) {
    %c0_i32 = arith.constant 0 : i32
    %c0_i32_0 = arith.constant 0 : i32
    %c0_i32_1 = arith.constant 0 : i32
    return %c0_i32, %c0_i32_0 : i32, i32
  }
  func.func @transform_8(%arg0: i32, %arg1: i32) -> (i32, i32) {
    %c0_i32 = arith.constant 0 : i32
    %c0_i32_0 = arith.constant 0 : i32
    %c0_i32_1 = arith.constant 0 : i32
    return %c0_i32, %c0_i32_0 : i32, i32
  }
  func.func @transform_9(%arg0: i32, %arg1: i32) -> (i32, i32, i32) {
    %c0_i32 = arith.constant 0 : i32
    %c0_i32_0 = arith.constant 0 : i32
    %c0_i32_1 = arith.constant 0 : i32
    return %arg0, %c0_i32, %c0_i32_0 : i32, i32, i32
  }
}

</mosaic_0001>

<sc_bundles>
// kernel: kernel.5.cloned.1.call-start
scs
__scs_entry_jumppad:
0x0: {  	(pc) =	sbr.rel $0x88, $3  }
0x1: {  	(tag) =	ssettag $0x0;
	lr =	simm.s32 $0x1  }
0x2: {  	[smem:$0x3F98] =	sst lr;
	_ =	strace $0xD0000000  }
0x3: {  	_ = 	snop  }
0x4: {  	_ = 	snop  }
0x5: {  	_ = 	snop  }
0x6: {  	_ = 	snop  }
0x7: {  	_ = 	snop  }
__scs_overlays_trampoline_lowered:
0x8: {  	[smem:$0x3FA7] =	sst s0  }
0x9: {  	[smem:$0x3FA8] =	sst s1  }
0xa: {  	[smem:$0x3FA9] =	sst s2  }
0xb: {  	[smem:$0x3FAA] =	sst s3  }
0xc: {  	[smem:$0x3FAB] =	sst s4  }
0xd: {  	[smem:$0x3FAC] =	sst s5  }
0xe: {  	[smem:$0x3FAD] =	sst s6  }
0xf: {  	[smem:$0x3FAE] =	sst s7  }
0x10: {  	[smem:$0x3FAF] =	sst s8  }
0x11: {  	[smem:$0x3FB0] =	sst s9;
	s0 =	simm.s32 @!p0 $0x0  }
0x12: {  	s1 =	sld [smem:$0x3F96];
	s0 =	simm.s32 @p0 $0x1  }
0x13: {  	[smem:$0x3FB1] =	sst s0;
	s0 =	simm.s32 @!p1 $0x0  }
0x14: {  	s2 =	sld [smem:$0x3F95];
	s0 =	simm.s32 @p1 $0x1  }
0x15: {  	[smem:$0x3FB2] =	sst s0;
	s0 =	simm.s32 @!p2 $0x0  }
0x16: {  	s3 =	sld [smem:$0x3FDB];
	s0 =	simm.s32 @p2 $0x1  }
0x17: {  	s4 =	simm.s32 $0x1BF5;
	[smem:$0x3FB4] =	sst s0  }
0x18: {  	s0 =	sld [smem:$0x3F97];
	_ =	swait.ge [sflag:s4], $0x0  }
0x19: {  	s7 =	sld [smem:$0x3F98]  }
0x1a: {  	s8 =	sadd.s32 $0xFFFFE003, lr  }
0x1b: {  	s9 =	sadd.s32 $0xFFFFFEF7, lr;
	s5 =	simm.s32 $0xFFFFFFFF;
	p2 =	slt.u32 s8, $0xFFFFF086  }
0x1c: {  	p1 =	slt.u32 s9, $0xF7A;
	s5 =	simm.s32 @!p2 $0x0  }
0x1d: {  	s5 =	simm.s32 @p1 $0x1;
	p0 =	seq.s32 s7, s2  }
0x1e: {  	s7 =	smul.u32 @!p0 $0xF7A, s2;
	p2 =	seq.s32 @!p0 s5, $0x0  }
0x1f: {  	s9 =	smul.u32 $0xF7A, s1;
	s8 =	simm.s32 @!p0 $0x1BF5;
	p2 =	por !p2, p0  }
0x20: {  	[sflag:s8] =	ssyncset.s32 @!p0 $0xFFFFF086;
	s6 =	sadd.s32 @!p0 s3, s7;
	s7 =	simm.s32 @!p0 $0x108  }
0x21: {  	s3 =	sadd.s32 s3, s9;
	s6 =	sadd.s32 @!p0 $0x88, s6;
	s7 =	simm.s32 @p2 $0x1082  }
0x22: {  	[simem:s7], [sflag:s8] =	dma.local @!p0 [hbm:s6], $0xF7A  }
0x23: {  	s9 =	sor.u32 $0xD0000000, s2;
	s6 =	simm.s32 $0x108;
	_ =	swait.ge @!p0 [sflag:s8], $0x0  }
0x24: {  	s3 =	sadd.s32 $0x88, s3;
	s6 =	simm.s32 @!p1 $0x1082;
	[sflag:s4] =	ssyncset.s32 $0xFFFFF086  }
0x25: {  	[simem:s6], [sflag:s4] =	dma.local [hbm:s3], $0xF7A  }
0x26: {  	[smem:$0x3F98] =	sst s1;
	(tag) =	ssettag s2;
	_ =	strace s9  }
0x27: {  	s1 =	sld [smem:$0x3FA8]  }
0x28: {  	s2 =	sld [smem:$0x3FA9]  }
0x29: {  	s4 =	sld [smem:$0x3FAB]  }
0x2a: {  	p0 =	seq.s32 s5, $0x0;
	s5 =	sld [smem:$0x3FAC]  }
0x2b: {  	s6 =	sld [smem:$0x3FAD]  }
0x2c: {  	s7 =	sld [smem:$0x3FAE]  }
0x2d: {  	s3 =	simm.s32 $0x108;
	s8 =	sld [smem:$0x3FAF]  }
0x2e: {  	s3 =	simm.s32 @!p0 $0x1082;
	s9 =	sld [smem:$0x3FB0]  }
0x2f: {  	lr =	sadd.s32 s0, s3;
	s0 =	sld [smem:$0x3FA7]  }
0x30: {  	s3 =	sld [smem:$0x3FAA]  }
0x31: {  	[smem:$0x3FB3] =	sst s10  }
0x32: {  	s10 =	sld [smem:$0x3FB1];
	_ =	sdelay $0x3  }
0x33: {  	p0 =	seq.s32 s10, $0x1;
	s10 =	sld [smem:$0x3FB3];
	_ =	sdelay $0x3  }
0x34: {  	[smem:$0x3FB3] =	sst s10  }
0x35: {  	s10 =	sld [smem:$0x3FB2];
	_ =	sdelay $0x3  }
0x36: {  	p1 =	seq.s32 s10, $0x1;
	s10 =	sld [smem:$0x3FB3];
	_ =	sdelay $0x3  }
0x37: {  	[smem:$0x3FB3] =	sst s10  }
0x38: {  	s10 =	sld [smem:$0x3FB4]  }
0x39: {  	_ = 	snop;
	(pc) =	sbr.ind lr, $3  }
0x3a: {  	_ = 	snop  }
0x3b: {  	_ = 	snop  }
0x3c: {  	p2 =	seq.s32 s10, $0x1;
	s10 =	sld [smem:$0x3FB3]  }
0x3d: {  	_ =	shalt  }
0x3e: {  	_ =	shalt  }
0x3f: {  	_ =	shalt  }
0x40: {  	_ =	shalt  }
0x41: {  	_ =	shalt  }
0x42: {  	_ =	shalt  }
0x43: {  	_ =	shalt  }
0x44: {  	_ =	shalt  }
0x45: {  	_ =	shalt  }
0x46: {  	_ =	shalt  }
0x47: {  	_ =	shalt  }
0x48: {  	_ =	shalt  }
0x49: {  	_ =	shalt  }
0x4a: {  	_ =	shalt  }
0x4b: {  	_ =	shalt  }
0x4c: {  	_ =	shalt  }
0x4d: {  	_ =	shalt  }
0x4e: {  	_ =	shalt  }
0x4f: {  	_ =	shalt  }
0x50: {  	_ =	shalt  }
0x51: {  	_ =	shalt  }
0x52: {  	_ =	shalt  }
0x53: {  	_ =	shalt  }
0x54: {  	_ =	shalt  }
0x55: {  	_ =	shalt  }
0x56: {  	_ =	shalt  }
0x57: {  	_ =	shalt  }
0x58: {  	_ =	shalt  }
0x59: {  	_ =	shalt  }
0x5a: {  	_ =	shalt  }
0x5b: {  	_ =	shalt  }
0x5c: {  	_ =	shalt  }
0x5d: {  	_ =	shalt  }
0x5e: {  	_ =	shalt  }
0x5f: {  	_ =	shalt  }
0x60: {  	_ =	shalt  }
0x61: {  	_ =	shalt  }
0x62: {  	_ =	shalt  }
0x63: {  	_ =	shalt  }
0x64: {  	_ =	shalt  }
0x65: {  	_ =	shalt  }
0x66: {  	_ =	shalt  }
0x67: {  	_ =	shalt  }
0x68: {  	_ =	shalt  }
0x69: {  	_ =	shalt  }
0x6a: {  	_ =	shalt  }
0x6b: {  	_ =	shalt  }
0x6c: {  	_ =	shalt  }
0x6d: {  	_ =	shalt  }
0x6e: {  	_ =	shalt  }
0x6f: {  	_ =	shalt  }
0x70: {  	_ =	shalt  }
0x71: {  	_ =	shalt  }
0x72: {  	_ =	shalt  }
0x73: {  	_ =	shalt  }
0x74: {  	_ =	shalt  }
0x75: {  	_ =	shalt  }
0x76: {  	_ =	shalt  }
0x77: {  	_ =	shalt  }
0x78: {  	_ =	shalt  }
0x79: {  	_ =	shalt  }
0x7a: {  	_ =	shalt  }
0x7b: {  	_ =	shalt  }
0x7c: {  	_ =	shalt  }
0x7d: {  	_ =	shalt  }
0x7e: {  	_ =	shalt  }
0x7f: {  	_ =	shalt  }
0x80: {  	_ =	shalt  }
0x81: {  	_ =	shalt  }
0x82: {  	_ =	shalt  }
0x83: {  	_ =	shalt  }
0x84: {  	_ =	shalt  }
0x85: {  	_ =	shalt  }
0x86: {  	_ =	shalt  }
0x87: {  	_ =	shalt  }
.Lfunc_end0:
.L_simem_size_0:
called_computation.1_lowered:
.L_overlay_start_0:
0x88: {  	s2 =	sld [smem:$0x3FD9]  }
0x89: {  	s3 =	sld [smem:$0x3FFE];
	_ =	sdelay $0x1  }
0x8a: {  	s1 =	srdreg.scid  }
0x8b: {  	s0 =	sand.u32 $0x1, s1  }
0x8c: {  	s16 =	sshll.u32 s0, $0xA;
	s2 =	sadd.s32 s3, s2  }
0x8d: {  	s2 =	sadd.s32 s2, s16  }
0x8e: {  	[smem:$0x3FBF] =	sst s2  }
0x8f: {  	_ = 	snop  }
0x90: {  	(tm) =	ssettm $0x1  }
0x91: {  	s17 =	sld [smem:$0x3FFB];
	_ =	sdelay $0x3  }
0x92: {  	_ =	strace s17  }
0x93: {  	s2 =	sld [smem:$0x3FFC];
	_ =	sdelay $0x3  }
0x94: {  	_ =	strace s2  }
0x95: {  	s2 =	sld [smem:$0x3FFD];
	_ =	sdelay $0x3  }
0x96: {  	_ =	strace s2  }
0x97: {  	_ =	strace $0x8FFFFFFF  }
0x98: {  	s18 =	sld [smem:$0x3FDB];
	_ =	sdelay $0x1  }
0x99: {  	s19 =	simm.s32 $_scs_section_size  }
0x9a: {  	s4 =	simm.s32 $_size__tile_overlayer_lowered;
	s5 =	simm.s32 $_tile_overlayer_lowered  }
0x9b: {  	s22 =	simm.s32 $0x1BFF;
	s21 =	sshll.u32 s5, $0x1;
	s2 =	sadd.s32 s19, s18  }
0x9c: {  	s6 =	simm.s32 $0x0;
	s20 =	sshll.u32 s4, $0x1;
	s4 =	sadd.s32 s21, s2  }
0x9d: {  	[timem:s6], [sflag:s22] =	dma.local [hbm:s4], s20  }
0x9e: {  	_ =	swait.ge [sflag:s22], s20  }
0x9f: {  	s3 =	ssub.s32 $0x0, s20;
	[sflag:s22] =	ssyncset.done $0x0  }
0xa0: {  	[sflag:s22] =	ssyncadd.s32 s3;
	_ =	sdelay $0x1  }
0xa1: {  	s23 =	simm.s32 $0x1B8B  }
0xa2: {  	_ =	swait.ge [sflag:s23], $0x1  }
0xa3: {  	[sflag:s23] =	ssyncset.done $0x0  }
0xa4: {  	s25 =	simm.s32 $0x1B8E;
	s24 =	sld [smem:$0x3FFE];
	[sflag:s23] =	ssyncadd.s32 $0xFFFFFFFF  }
0xa5: {  	s26 =	simm.s32 $execute0_lowered;
	[smem:$0x3FD2] =	sst s25  }
0xa6: {  	s4 =	sshll.u32 s26, $0x1;
	_ =	strace $0x80000049;
	[dreg:$0x1] =	wrdreg $0xFFFFFFFF  }
0xa7: {  	s28 =	simm.s32 $_size_execute0_lowered;
	s2 =	sadd.s32 s2, s4;
	[dreg:$0x0] =	wrdreg $0x0  }
0xa8: {  	s4 =	sshll.u32 s28, $0x1;
	[dreg:$0x2] =	wrdreg s2  }
0xa9: {  	[dreg:$0x3] =	wrdreg s4  }
0xaa: {  	[dreg:$0x4] =	wrdreg $0xC0  }
0xab: {  	_ =	task [dreg:s6], $0x5FFFF  }
0xac: {  	[dreg:$0x1] =	wrdreg $0xFFFFFFFF  }
0xad: {  	[dreg:$0x0] =	wrdreg $0x60  }
0xae: {  	[dreg:$0x2] =	wrdreg s24  }
0xaf: {  	[dreg:$0x3] =	wrdreg $0x9  }
0xb0: {  	_ =	task.clear_ibuf [dreg:s6], $0x4FFFF;
	_ =	strace $0x90000049  }
0xb1: {  	s29 =	simm.s32 $0x9;
	_ =	strace $0x8000004B  }
0xb2: {  	_ =	swait.ge [sflag:s29], $0x1  }
0xb3: {  	[sflag:s29] =	ssyncadd.s32 $0xFFFFFFFF  }
0xb4: {  	_ =	strace $0x9000004B  }
0xb5: {  	_ =	sfence  }
0xb6: {  	s30 =	sld [smem:$0x0];
	_ =	sdelay $0x2  }
0xb7: {  	s31 =	sshll.u32 s1, $0xD;
	s1 =	sshrl.u32 s1, $0x2  }
0xb8: {  	s3 =	sand.u32 $0x4000, s31;
	s1 =	sadd.s32 s1, s30  }
0xb9: {  	s0 =	sor.u32 s3, s0;
	s1 =	sshll.u32 s1, $0x11  }
0xba: {  	s0 =	sor.u32 s1, s0  }
0xbb: {  	s0 =	sadd.s32 $0x8F2B, s0  }
0xbc: {  	[sflag:s0] =	ssyncadd.remote.s32 $0x1  }
0xbd: {  	_ =	sfence.sel $0xFFFF  }
0xbe: {  	[dreg:$0x0] =	wrdreg $0xFFFFFFFF;
	(pc) =	sbr.abs _section_cstart, $3  }
0xbf: {  	[dreg:$0x1] =	wrdreg $0xFFFFFFFF  }
0xc0: {  	_ =	task.clear_ibuf [dreg:s6], $0x2FFFF;
	_ =	strace $0x9FFFFFFF  }
0xc1: {  	(tm) =	ssettm $0x7FFFFFFF  }
tec
execute0_lowered:
.L_overlay_start_1:
0x0: {  	(tag) =	ssettag $0x1  }
0x1: {  	s7 =	rddreg [dreg:$0x0]  }
0x2: {  	s0 =	rddreg [dreg:$0x1]  }
0x3: {  	s2 =	simm.s32 $0x0;
	s3 =	srdreg.scid;
	s1 =	stileid.u32  }
0x4: {  	s12 =	simm.s32 $0x4000;
	s13 =	simm.s32 $0x8D10;
	s14 =	simm.s32 $0x4100  }
0x5: {  	s15 =	simm.s32 $0x40;
	s16 =	simm.s32 $0x1;
	s17 =	simm.s32 $0x4D10  }
0x6: {  	s18 =	simm.s32 $0x4910;
	s19 =	simm.s32 $0x0;
	[smem:$0x7FF] =	sst s2  }
0x7: {  	s5 =	sand.u32 $0x1, s3;
	s4 =	sshll.u32 s1, $0x1;
	s3 =	sadd.s32 $0x282600, s7  }
0x8: {  	_ =	strace $0x8000004A;
	s8 =	sor.u32 s5, s4;
	s4 =	sadd.s32 $0x4A600, s7  }
0x9: {  	s9 =	ssub.s32 $0x2, s5;
	s5 =	sadd.s32 $0x42600, s7;
	s6 =	sshll.u32 s8, $0x1  }
0xa: {  	s11 =	sshrl.u32 s9, $0x1;
	s8 =	sshll.u32 s8, $0x9;
	s10 =	sadd.s32 s6, s7  }
0xb: {  	s6 =	sadd.s32 $0x52800, s7;
	s7 =	sadd.s32 $0x252800, s7;
	s11 =	ssub.s32 s9, s11  }
0xc: {  	v0 =	vimm.s32 $0x0;
	s9 =	sadd.s32 $0x52600, s10;
	s10 =	smax.u32 s11, $0x1;
	s11 =	simm.s32 $0x2  }
.LBB2_1:
0xd: {  	s20 =	simm.s32 $0x0  }
.LBB2_2:
0xe: {  	s21 =	sshll.u32 s20, $0x4  }
0xf: {  	s21 =	sadd.s32 s8, s21  }
0x10: {  	s22 =	sshll.u32 s21, $0x7  }
0x11: {  	s23 =	simm.s32 $0x0;
	s24 =	sadd.s32 s3, s22  }
0x12: {  	[tilespmem:s23], [sflag:$0x2] =	stream.linear.gather [hbm4b:s24+s23], $0x4000, $0x38;
	[tilespmem:$0x8D20] =	vst v63  }
0x13: {  	_ =	swait.ge [sflag:s11], $0x4000  }
0x14: {  	s31 =	sshll.u32 s21, $0x1;
	[sflag:s11] =	ssyncset.done $0x0  }
0x15: {  	s24 =	sadd.s32 s4, s31;
	[sflag:s11] =	ssyncadd.s32 $0xFFFFC000  }
0x16: {  	[tilespmem:s12], [sflag:$0x2] =	stream.linear.gather [hbm4b:s24+s23], $0x100, $0x38;
	[tilespmem:$0x8D20] =	vst v63  }
0x17: {  	_ =	swait.ge [sflag:s11], $0x100  }
0x18: {  	[sflag:s11] =	ssyncset.done $0x0  }
0x19: {  	[sflag:s11] =	ssyncadd.s32 $0xFFFFFF00  }
0x1a: {  	[tilespmem:s13], [sflag:$0x2] =	stream.linear.gather [hbm4b:s9+s23], $0x10, $0x38;
	[tilespmem:$0x8D20] =	vst v63  }
0x1b: {  	_ =	swait.ge [sflag:s11], $0x10  }
0x1c: {  	[sflag:s11] =	ssyncset.done $0x0  }
0x1d: {  	v1 =	vimm.s32 $0x0;
	s24 =	simm.s32 $0x40;
	[sflag:s11] =	ssyncadd.s32 $0xFFFFFFF0  }
.LBB2_3:
0x1e: {  	s25 =	sshll.u32 s23, $0x6  }
0x1f: {  	s26 =	sshrl.u32 s25, $0x2  }
0x20: {  	v3 =	vlaneseq.u32;
	s28 =	simm.s32 $0xFFFFFFF8;
	s29 =	smov.u32 s24;
	v4 =	vimm.s32 $0x0;
	v2 =	vld [tilespmem:s26+$0x4000];
	s26 =	sshll.u32 s23, $0xC  }
.LBB2_4:
0x21: {  	v5 =	vld [tilespmem:s29+$0xFFFFFFC0];
	_ =	sdelay $0x4  }
0x22: {  	vm0 =	vle.f32 v5, v2  }
0x23: {  	v5 =	vsel vm0, $0x1, v0  }
0x24: {  	(xrf0) =	vadd.scan.msk.s32 $0xffff, v5;
	_ =	sdelay $0x5  }
0x25: {  	v5, _, _ =	vpop (xrf0)  }
0x26: {  	v5 =	vadd.s32 v5, v4  }
0x27: {  	v5 =	vadd.s32 $0xFFFFFFFF, v5  }
0x28: {  	v5 =	vnsel vm0, $0x40F, v5;
	_ =	sdelay $0x4  }
0x29: {  	[tilespmem:v5+s14+$0x0] =	vst.idx.msk $0xffff, v3  }
0x2a: {  	v5 =	vld [tilespmem:s29+$0xFFFFFFD0];
	_ =	sdelay $0x4  }
0x2b: {  	vm1 =	vle.f32 v5, v2  }
0x2c: {  	v5 =	vsel vm1, $0x1, v0  }
0x2d: {  	(xrf0) =	vadd.scan.msk.s32 $0xffff, v5;
	_ =	sdelay $0x1  }
0x2e: {  	v5 =	vmpcnt.ones.xlane vm0;
	_ =	sdelay $0x3  }
0x2f: {  	v4 =	vadd.s32 v4, v5;
	v5, _, _ =	vpop (xrf0)  }
0x30: {  	v5 =	vadd.s32 v5, v4  }
0x31: {  	v5 =	vadd.s32 $0xFFFFFFFF, v5  }
0x32: {  	v5 =	vnsel vm1, $0x40F, v5;
	_ =	sdelay $0x3  }
0x33: {  	v6 =	vadd.s32 $0x10, v3  }
0x34: {  	[tilespmem:v5+s14+$0x0] =	vst.idx.msk $0xffff, v6  }
0x35: {  	v5 =	vld [tilespmem:s29+$0xFFFFFFE0];
	_ =	sdelay $0x4  }
0x36: {  	vm10 =	vle.f32 v5, v2  }
0x37: {  	v5 =	vsel vm10, $0x1, v0  }
0x38: {  	(xrf0) =	vadd.scan.msk.s32 $0xffff, v5;
	_ =	sdelay $0x1  }
0x39: {  	v5 =	vmpcnt.ones.xlane vm1;
	_ =	sdelay $0x3  }
0x3a: {  	v4 =	vadd.s32 v4, v5;
	v5, _, _ =	vpop (xrf0)  }
0x3b: {  	v5 =	vadd.s32 v5, v4  }
0x3c: {  	v5 =	vadd.s32 $0xFFFFFFFF, v5  }
0x3d: {  	v5 =	vnsel vm10, $0x40F, v5;
	_ =	sdelay $0x3  }
0x3e: {  	v6 =	vadd.s32 $0x20, v3  }
0x3f: {  	[tilespmem:v5+s14+$0x0] =	vst.idx.msk $0xffff, v6  }
0x40: {  	v5 =	vld [tilespmem:s29+$0xFFFFFFF0];
	_ =	sdelay $0x4  }
0x41: {  	vm11 =	vle.f32 v5, v2  }
0x42: {  	v5 =	vsel vm11, $0x1, v0  }
0x43: {  	(xrf0) =	vadd.scan.msk.s32 $0xffff, v5;
	_ =	sdelay $0x1  }
0x44: {  	v5 =	vmpcnt.ones.xlane vm10;
	_ =	sdelay $0x3  }
0x45: {  	v4 =	vadd.s32 v4, v5;
	v5, _, _ =	vpop (xrf0)  }
0x46: {  	v5 =	vadd.s32 v5, v4  }
0x47: {  	v5 =	vadd.s32 $0xFFFFFFFF, v5  }
0x48: {  	v5 =	vnsel vm11, $0x40F, v5;
	_ =	sdelay $0x3  }
0x49: {  	v6 =	vadd.s32 $0x30, v3  }
0x4a: {  	[tilespmem:v5+s14+$0x0] =	vst.idx.msk $0xffff, v6  }
0x4b: {  	v5 =	vld [tilespmem:s29+$0x0];
	_ =	sdelay $0x4  }
0x4c: {  	vm12 =	vle.f32 v5, v2  }
0x4d: {  	v5 =	vsel vm12, $0x1, v0  }
0x4e: {  	(xrf0) =	vadd.scan.msk.s32 $0xffff, v5;
	_ =	sdelay $0x1  }
0x4f: {  	v5 =	vmpcnt.ones.xlane vm11;
	_ =	sdelay $0x3  }
0x50: {  	v4 =	vadd.s32 v4, v5;
	v5, _, _ =	vpop (xrf0)  }
0x51: {  	v5 =	vadd.s32 v5, v4  }
0x52: {  	v5 =	vadd.s32 $0xFFFFFFFF, v5  }
0x53: {  	v5 =	vnsel vm12, $0x40F, v5;
	_ =	sdelay $0x3  }
0x54: {  	v6 =	vadd.s32 $0x40, v3  }
0x55: {  	[tilespmem:v5+s14+$0x0] =	vst.idx.msk $0xffff, v6  }
0x56: {  	v5 =	vld [tilespmem:s29+$0x10];
	_ =	sdelay $0x4  }
0x57: {  	vm13 =	vle.f32 v5, v2  }
0x58: {  	v5 =	vsel vm13, $0x1, v0  }
0x59: {  	(xrf0) =	vadd.scan.msk.s32 $0xffff, v5;
	_ =	sdelay $0x1  }
0x5a: {  	v5 =	vmpcnt.ones.xlane vm12;
	_ =	sdelay $0x3  }
0x5b: {  	v4 =	vadd.s32 v4, v5;
	v5, _, _ =	vpop (xrf0)  }
0x5c: {  	v5 =	vadd.s32 v5, v4  }
0x5d: {  	v5 =	vadd.s32 $0xFFFFFFFF, v5  }
0x5e: {  	v5 =	vnsel vm13, $0x40F, v5;
	_ =	sdelay $0x3  }
0x5f: {  	v6 =	vadd.s32 $0x50, v3  }
0x60: {  	[tilespmem:v5+s14+$0x0] =	vst.idx.msk $0xffff, v6  }
0x61: {  	v5 =	vld [tilespmem:s29+$0x20];
	_ =	sdelay $0x4  }
0x62: {  	vm14 =	vle.f32 v5, v2  }
0x63: {  	v5 =	vsel vm14, $0x1, v0  }
0x64: {  	(xrf0) =	vadd.scan.msk.s32 $0xffff, v5;
	_ =	sdelay $0x1  }
0x65: {  	v5 =	vmpcnt.ones.xlane vm13;
	_ =	sdelay $0x3  }
0x66: {  	v4 =	vadd.s32 v4, v5;
	v5, _, _ =	vpop (xrf0)  }
0x67: {  	v5 =	vadd.s32 v5, v4  }
0x68: {  	v5 =	vadd.s32 $0xFFFFFFFF, v5  }
0x69: {  	v5 =	vnsel vm14, $0x40F, v5;
	_ =	sdelay $0x3  }
0x6a: {  	v6 =	vadd.s32 $0x60, v3  }
0x6b: {  	[tilespmem:v5+s14+$0x0] =	vst.idx.msk $0xffff, v6  }
0x6c: {  	v5 =	vld [tilespmem:s29+$0x30];
	_ =	sdelay $0x4  }
0x6d: {  	vm15 =	vle.f32 v5, v2  }
0x6e: {  	v5 =	vsel vm15, $0x1, v0  }
0x6f: {  	(xrf0) =	vadd.scan.msk.s32 $0xffff, v5;
	_ =	sdelay $0x1  }
0x70: {  	v5 =	vmpcnt.ones.xlane vm14;
	_ =	sdelay $0x3  }
0x71: {  	v4 =	vadd.s32 v4, v5;
	v5, _, _ =	vpop (xrf0)  }
0x72: {  	v5 =	vadd.s32 v5, v4  }
0x73: {  	s28 =	sadd.s32 $0x8, s28;
	v5 =	vadd.s32 $0xFFFFFFFF, v5  }
0x74: {  	p0 =	slt.u32 s28, $0x38;
	v5 =	vnsel vm15, $0x40F, v5  }
.Ltmp0:
0x75: {  	_ = 	snop;
	(pc) =	sbr.rel @p0 .LBB2_4-.Ltmp0, $4  }
0x76: {  	_ = 	snop  }
0x77: {  	v6 =	vmpcnt.ones.xlane vm15  }
0x78: {  	v7 =	vadd.s32 $0x70, v3  }
0x79: {  	v3 =	vadd.s32 $0x80, v3;
	s29 =	sadd.s32 $0x80, s29;
	v4 =	vadd.s32 v4, v6;
	[tilespmem:v5+s14+$0x0] =	vst.idx.msk $0xffff, v7  }
0x7a: {  	v2 =	vld [tilespmem:$0x4100];
	_ =	sdelay $0x4  }
0x7b: {  	v3 =	vadd.s32 v1, v2;
	_ =	sdelay $0x2  }
0x7c: {  	v4 =	vld [tilespmem:$0x8D10];
	_ =	sdelay $0x1  }
0x7d: {  	v3 =	vld.idx.msk [tilespmem:v3+s2+$0x0], $0xffff;
	_ =	sdelay $0x2  }
0x7e: {  	v2 =	vadd.s32 v4, v2  }
0x7f: {  	[tilespmem:s25+$0x4510] =	vst v2  }
0x80: {  	[tilespmem:s25+$0x4910] =	vst v3  }
0x81: {  	v2 =	vld [tilespmem:$0x4110];
	_ =	sdelay $0x4  }
0x82: {  	v3 =	vadd.s32 v1, v2;
	_ =	sdelay $0x4  }
0x83: {  	v3 =	vld.idx.msk [tilespmem:v3+s2+$0x0], $0xffff;
	_ =	sdelay $0x2  }
0x84: {  	v2 =	vadd.s32 v4, v2  }
0x85: {  	[tilespmem:s25+$0x4520] =	vst v2  }
0x86: {  	[tilespmem:s25+$0x4920] =	vst v3  }
0x87: {  	v2 =	vld [tilespmem:$0x4120];
	_ =	sdelay $0x4  }
0x88: {  	v3 =	vadd.s32 v1, v2;
	_ =	sdelay $0x4  }
0x89: {  	v3 =	vld.idx.msk [tilespmem:v3+s2+$0x0], $0xffff;
	_ =	sdelay $0x2  }
0x8a: {  	v2 =	vadd.s32 v4, v2  }
0x8b: {  	[tilespmem:s25+$0x4530] =	vst v2  }
0x8c: {  	[tilespmem:s25+$0x4930] =	vst v3  }
0x8d: {  	v2 =	vld [tilespmem:$0x4130];
	_ =	sdelay $0x4  }
0x8e: {  	v3 =	vadd.s32 v1, v2;
	_ =	sdelay $0x4  }
0x8f: {  	s23 =	sadd.s32 $0x1, s23;
	v3 =	vld.idx.msk [tilespmem:v3+s2+$0x0], $0xffff  }
0x90: {  	p0 =	sne.s32 s23, $0x10  }
.Ltmp1:
0x91: {  	_ = 	snop;
	(pc) =	sbr.rel @p0 .LBB2_3-.Ltmp1, $4  }
0x92: {  	v2 =	vadd.s32 v4, v2  }
0x93: {  	s26 =	sshrl.u32 s26, $0x2;
	[tilespmem:s25+$0x4540] =	vst v2  }
0x94: {  	s28 =	sadd.s32 $0x4510, s25;
	s24 =	sadd.s32 $0x400, s24;
	s31 =	sadd.s32 $0x4D10, s26;
	[tilespmem:s25+$0x4940] =	vst v3  }
0x95: {  	v1 =	vadd.s32 $0x400, v1;
	[tilespmem:s31], [sflag:$0x1] =	stream.indirect.gather [hbm4b:s5+s15], $0x10, s28, s15, $0xb8;
	[tilespmem:$0x8D20] =	vst v63  }
0x96: {  	_ =	swait.ge [sflag:s16], $0x400  }
0x97: {  	[sflag:s16] =	ssyncset.done $0x0  }
0x98: {  	[sflag:s16] =	ssyncadd.s32 $0xFFFFFC00  }
0x99: {  	_ =	swait.ge [sflag:s16], $0x400  }
0x9a: {  	[sflag:s16] =	ssyncset.done $0x0  }
0x9b: {  	[sflag:s16] =	ssyncadd.s32 $0xFFFFFC00  }
0x9c: {  	_ =	swait.ge [sflag:s16], $0x400  }
0x9d: {  	[sflag:s16] =	ssyncset.done $0x0  }
0x9e: {  	[sflag:s16] =	ssyncadd.s32 $0xFFFFFC00  }
0x9f: {  	_ =	swait.ge [sflag:s16], $0x400  }
0xa0: {  	[sflag:s16] =	ssyncset.done $0x0  }
0xa1: {  	[sflag:s16] =	ssyncadd.s32 $0xFFFFFC00  }
0xa2: {  	_ =	swait.ge [sflag:s16], $0x400  }
0xa3: {  	[sflag:s16] =	ssyncset.done $0x0  }
0xa4: {  	[sflag:s16] =	ssyncadd.s32 $0xFFFFFC00  }
0xa5: {  	_ =	swait.ge [sflag:s16], $0x400  }
0xa6: {  	[sflag:s16] =	ssyncset.done $0x0  }
0xa7: {  	[sflag:s16] =	ssyncadd.s32 $0xFFFFFC00  }
0xa8: {  	_ =	swait.ge [sflag:s16], $0x400  }
0xa9: {  	[sflag:s16] =	ssyncset.done $0x0  }
0xaa: {  	[sflag:s16] =	ssyncadd.s32 $0xFFFFFC00  }
0xab: {  	_ =	swait.ge [sflag:s16], $0x400  }
0xac: {  	[sflag:s16] =	ssyncset.done $0x0  }
0xad: {  	[sflag:s16] =	ssyncadd.s32 $0xFFFFFC00  }
0xae: {  	_ =	swait.ge [sflag:s16], $0x400  }
0xaf: {  	[sflag:s16] =	ssyncset.done $0x0  }
0xb0: {  	[sflag:s16] =	ssyncadd.s32 $0xFFFFFC00  }
0xb1: {  	_ =	swait.ge [sflag:s16], $0x400  }
0xb2: {  	[sflag:s16] =	ssyncset.done $0x0  }
0xb3: {  	[sflag:s16] =	ssyncadd.s32 $0xFFFFFC00  }
0xb4: {  	_ =	swait.ge [sflag:s16], $0x400  }
0xb5: {  	[sflag:s16] =	ssyncset.done $0x0  }
0xb6: {  	[sflag:s16] =	ssyncadd.s32 $0xFFFFFC00  }
0xb7: {  	_ =	swait.ge [sflag:s16], $0x400  }
0xb8: {  	[sflag:s16] =	ssyncset.done $0x0  }
0xb9: {  	[sflag:s16] =	ssyncadd.s32 $0xFFFFFC00  }
0xba: {  	_ =	swait.ge [sflag:s16], $0x400  }
0xbb: {  	[sflag:s16] =	ssyncset.done $0x0  }
0xbc: {  	[sflag:s16] =	ssyncadd.s32 $0xFFFFFC00  }
0xbd: {  	_ =	swait.ge [sflag:s16], $0x400  }
0xbe: {  	[sflag:s16] =	ssyncset.done $0x0  }
0xbf: {  	[sflag:s16] =	ssyncadd.s32 $0xFFFFFC00  }
0xc0: {  	_ =	swait.ge [sflag:s16], $0x400  }
0xc1: {  	[sflag:s16] =	ssyncset.done $0x0  }
0xc2: {  	[sflag:s16] =	ssyncadd.s32 $0xFFFFFC00  }
0xc3: {  	_ =	swait.ge [sflag:s16], $0x400  }
0xc4: {  	[sflag:s16] =	ssyncset.done $0x0  }
0xc5: {  	s22 =	sadd.s32 s6, s22;
	[sflag:s16] =	ssyncadd.s32 $0xFFFFFC00  }
0xc6: {  	[hbm4b:s22+s2] =	stream.linear.scatter [tilespmem:s17], [sflag:$0x2], $0x4000, $0x38;
	[tilespmem:$0x8D20] =	vst v63  }
0xc7: {  	s20 =	sadd.s32 $0x1, s20;
	_ =	swait.ge [sflag:s11], $0x4000  }
0xc8: {  	s21 =	sshll.u32 s21, $0x3;
	p0 =	sne.s32 s20, $0x20;
	[sflag:s11] =	ssyncset.done $0x0  }
.Ltmp2:
0xc9: {  	s21 =	sadd.s32 s7, s21;
	[sflag:s11] =	ssyncadd.s32 $0xFFFFC000;
	(pc) =	sbr.rel @p0 .LBB2_2-.Ltmp2, $4  }
0xca: {  	[hbm4b:s21+s2] =	stream.linear.scatter [tilespmem:s18], [sflag:$0x2], $0x400, $0x38;
	[tilespmem:$0x8D20] =	vst v63  }
0xcb: {  	_ =	swait.ge [sflag:s11], $0x400  }
0xcc: {  	[sflag:s11] =	ssyncset.done $0x0  }
0xcd: {  	[sflag:s11] =	ssyncadd.s32 $0xFFFFFC00  }
0xce: {  	s19 =	sadd.s32 $0x1, s19  }
0xcf: {  	p0 =	sne.s32 s19, s10  }
.Ltmp3:
0xd0: {  	_ = 	snop;
	(pc) =	sbr.rel @p0 .LBB2_1-.Ltmp3, $1  }
0xd1: {  	_ =	sdelay $0x3  }
0xd2: {  	_ =	sfence.sel $0x180000  }
0xd3: {  	[bflag:$0x0] =	sbarrier.arrive $0xFFFF  }
0xd4: {  	p0 =	sne.s32 s1, $0x0;
	_ =	strace $0x9000004A  }
0xd5: {  	s0 =	sadd.s32 @!p0 $0x100000, s0;
	[bflag:$0x2] =	sbarrier.arrive $0xFFFF  }
0xd6: {  	[sflag:s0] =	ssyncadd.tile.s32 @!p0 $0x1;
	_ =	shalt  }
.Lfunc_end2:
_tile_overlayer_lowered:
.L_overlay_start_2:
0xd7: {  	(tag) =	ssettag $0x2  }
0xd8: {  	s0 =	rddreg [dreg:$0x0];
	s2 =	stileid.u32  }
0xd9: {  	s1 =	rddreg [dreg:$0x1];
	p0 =	sne.s32 s2, $0x0  }
0xda: {  	s3 =	rddreg [dreg:$0x2];
	[bflag:$0x3] =	sbarrier.arrive $0xFFFF;
	s2 =	simm.s32 @!p0 $0x1C02  }
0xdb: {  	[timem:s3], [sflag:s2] =	dma.local @!p0 [hbm:s0], s1  }
0xdc: {  	s0 =	simm.s32 @!p0 $0x2  }
0xdd: {  	_ =	swait.ge @!p0 [sflag:s0], s1  }
0xde: {  	s1 =	ssub.s32 @!p0 $0x0, s1;
	[sflag:s0] =	ssyncset.done @!p0 $0x0  }
0xdf: {  	[sflag:s0] =	ssyncadd.s32 @!p0 s1  }
0xe0: {  	[bflag:$0x3] =	sbarrier.arrive $0xFFFF  }
0xe1: {  	_ =	shalt  }

// kernel: sparse-core-data-format-call.cloned.1.call-start
scs
called_computation_lowered:
.L_overlay_start_0:
0x0: {  	s1 =	sld [smem:$0x3FD9]  }
0x1: {  	s2 =	sld [smem:$0x3FFE];
	_ =	sdelay $0x1  }
0x2: {  	s3 =	srdreg.scid  }
0x3: {  	s0 =	sand.u32 $0x1, s3  }
0x4: {  	s17 =	sshll.u32 s0, $0xA;
	s1 =	sadd.s32 s2, s1  }
0x5: {  	s1 =	sadd.s32 s1, s17  }
0x6: {  	[smem:$0x3FBF] =	sst s1  }
0x7: {  	_ = 	snop  }
0x8: {  	(tm) =	ssettm $0x1  }
0x9: {  	s18 =	sld [smem:$0x3FFB];
	_ =	sdelay $0x3  }
0xa: {  	_ =	strace s18  }
0xb: {  	s1 =	sld [smem:$0x3FFC];
	_ =	sdelay $0x3  }
0xc: {  	_ =	strace s1  }
0xd: {  	s1 =	sld [smem:$0x3FFD];
	_ =	sdelay $0x3  }
0xe: {  	_ =	strace s1  }
0xf: {  	_ =	strace $0x8FFFFFFF  }
0x10: {  	s19 =	sld [smem:$0x3FDB];
	_ =	sdelay $0x1  }
0x11: {  	s20 =	simm.s32 $_scs_section_size  }
0x12: {  	s4 =	simm.s32 $_size__tile_overlayer_lowered;
	s5 =	simm.s32 $_tile_overlayer_lowered  }
0x13: {  	s23 =	simm.s32 $0x1BFF;
	s22 =	sshll.u32 s5, $0x1;
	s1 =	sadd.s32 s20, s19  }
0x14: {  	s6 =	simm.s32 $0x0;
	s21 =	sshll.u32 s4, $0x1;
	s4 =	sadd.s32 s22, s1  }
0x15: {  	[timem:s6], [sflag:s23] =	dma.local [hbm:s4], s21  }
0x16: {  	_ =	swait.ge [sflag:s23], s21  }
0x17: {  	s2 =	ssub.s32 $0x0, s21;
	[sflag:s23] =	ssyncset.done $0x0  }
0x18: {  	[sflag:s23] =	ssyncadd.s32 s2;
	_ =	sdelay $0x1  }
0x19: {  	s24 =	simm.s32 $0x1B8B  }
0x1a: {  	_ =	swait.ge [sflag:s24], $0x1  }
0x1b: {  	[sflag:s24] =	ssyncset.done $0x0  }
0x1c: {  	s26 =	simm.s32 $0x1B8E;
	s25 =	sld [smem:$0x3FFE];
	[sflag:s24] =	ssyncadd.s32 $0xFFFFFFFF  }
0x1d: {  	s27 =	simm.s32 $execute0_lowered;
	[smem:$0x3FD2] =	sst s26  }
0x1e: {  	s4 =	sshll.u32 s27, $0x1;
	_ =	strace $0x80000046;
	[dreg:$0x1] =	wrdreg $0xFFFFFFFF  }
0x1f: {  	s28 =	simm.s32 $_size_execute0_lowered;
	s1 =	sadd.s32 s1, s4;
	[dreg:$0x0] =	wrdreg $0x0  }
0x20: {  	s4 =	sshll.u32 s28, $0x1;
	[dreg:$0x2] =	wrdreg s1  }
0x21: {  	[dreg:$0x3] =	wrdreg s4  }
0x22: {  	[dreg:$0x4] =	wrdreg $0xC0  }
0x23: {  	_ =	task [dreg:s6], $0x5FFFF  }
0x24: {  	[dreg:$0x1] =	wrdreg $0xFFFFFFFF  }
0x25: {  	[dreg:$0x0] =	wrdreg $0x60  }
0x26: {  	[dreg:$0x2] =	wrdreg s25  }
0x27: {  	[dreg:$0x3] =	wrdreg $0x9  }
0x28: {  	_ =	task.clear_ibuf [dreg:s6], $0x4FFFF;
	_ =	strace $0x90000046  }
0x29: {  	s29 =	simm.s32 $0x9;
	_ =	strace $0x80000048  }
0x2a: {  	_ =	swait.ge [sflag:s29], $0x1  }
0x2b: {  	[sflag:s29] =	ssyncadd.s32 $0xFFFFFFFF  }
0x2c: {  	_ =	strace $0x90000048  }
0x2d: {  	_ =	sfence  }
0x2e: {  	s30 =	sld [smem:$0x0];
	_ =	sdelay $0x2  }
0x2f: {  	s31 =	sshll.u32 s3, $0xD;
	s3 =	sshrl.u32 s3, $0x2  }
0x30: {  	s2 =	sand.u32 $0x4000, s31;
	s1 =	sadd.s32 s3, s30  }
0x31: {  	s0 =	sor.u32 s2, s0;
	s1 =	sshll.u32 s1, $0x11  }
0x32: {  	s0 =	sor.u32 s1, s0  }
0x33: {  	s0 =	sadd.s32 $0x8F2B, s0  }
0x34: {  	[sflag:s0] =	ssyncadd.remote.s32 $0x1  }
0x35: {  	_ =	sfence.sel $0xFFFF  }
0x36: {  	[dreg:$0x0] =	wrdreg $0xFFFFFFFF;
	(pc) =	sbr.abs _section_cstart, $3  }
0x37: {  	[dreg:$0x1] =	wrdreg $0xFFFFFFFF  }
0x38: {  	_ =	task.clear_ibuf [dreg:s6], $0x2FFFF;
	_ =	strace $0x9FFFFFFF  }
0x39: {  	(tm) =	ssettm $0x7FFFFFFF  }
tec
execute0_lowered:
.L_overlay_start_1:
0x0: {  	(tag) =	ssettag $0x1  }
0x1: {  	s0 =	srdreg.scid  }
0x2: {  	s1 =	sshll.u32 s0, $0x4  }
0x3: {  	s4 =	rddreg [dreg:$0x0];
	s0 =	stileid.u32;
	s1 =	sand.u32 $0x10, s1  }
0x4: {  	s7 =	simm.s32 $0x1;
	s8 =	simm.s32 $0x2;
	s1 =	sor.u32 s0, s1  }
0x5: {  	s9 =	simm.s32 $0x0;
	s12 =	simm.s32 $0x0;
	s2 =	sshll.u32 s1, $0x1  }
0x6: {  	s11 =	simm.s32 $0x0;
	s3 =	sadd.s32 $0x82600, s4;
	s6 =	ssub.s32 $0x800, s2  }
.Ltmp0:
0x7: {  	s4 =	sadd.s32 $0x282600, s4;
	s5 =	sand.u32 $0x3E, s6;
	(pc) =	sbr.rel .LBB1_1-.Ltmp0, $4  }
0x8: {  	s1 =	rddreg [dreg:$0x1];
	_ =	strace $0x80000047;
	p0 =	sne.s32 s5, $0x0  }
0x9: {  	s6 =	sshrl.u32 s6, $0x6;
	s5 =	simm.s32 $0x1;
	s7 =	simm.s32 @!p0 $0x0  }
0xa: {  	s10 =	smov.u32 s2;
	[sflag:s5] =	ssyncpa.u1 $0x0;
	s6 =	sadd.s32 s7, s6  }
0xb: {  	[sflag:s8] =	ssyncpa.u1 $0x0;
	s8 =	simm.s32 $0x0;
	s7 =	sadd.s32 $0x1, s6  }
.LBB1_9:
0xc: {  	s14 =	sadd.s32 $0x40, s10  }
0xd: {  	p1 =	sgt.s32 s14, $0x7FF  }
0xe: {  	s14 =	smov.u32 @p1 s2;
	p1 =	sne.s32 s11, s7  }
.Ltmp1:
0xf: {  	p0 =	slt.u32 s11, $0x2;
	(pc) =	sbr.rel @!p1 .LBB1_10-.Ltmp1, $4  }
0x10: {  	s13 =	simm.s32 @!p0 $0x2  }
0x11: {  	s15 =	sadd.s32 $0x1, s11;
	_ =	swait.ge @!p0 [sflag:s13], $0x4000  }
0x12: {  	s12 =	smov.u32 s10;
	s9 =	sadd.s32 $0x4000, s9;
	[sflag:s13] =	ssyncset.done @!p0 $0x0  }
0x13: {  	s11 =	smov.u32 s15;
	s10 =	smov.u32 s14;
	[sflag:s13] =	ssyncadd.s32 @!p0 $0xFFFFC000  }
.LBB1_1:
0x14: {  	p0 =	sge.u32 s11, s6  }
0x15: {  	s13 =	sxor.u32 @!p0 $0xFFFFFFFF, s11  }
0x16: {  	s31 =	sadd.s32 $0xFFFFFFFF, s11;
	s14 =	sshll.u32 @!p0 s10, $0xA;
	s13 =	sshll.u32 @!p0 s13, $0xE  }
0x17: {  	s15 =	simm.s32 @!p0 $0x0;
	s14 =	sadd.s32 @!p0 s3, s14;
	s13 =	sand.u32 @!p0 $0x4000, s13  }
0x18: {  	[tilespmem:s13], [sflag:$0x1] =	stream.linear.gather @!p0 [hbm4b:s14+s15], $0x4000, $0x38;
	[tilespmem:$0x10000] =	vst v63  }
0x19: {  	p0 =	sge.u32 s31, s6  }
.Ltmp2:
0x1a: {  	_ = 	snop;
	(pc) =	sbr.rel @p0 .LBB1_9-.Ltmp2, $1  }
0x1b: {  	_ =	sdelay $0x3  }
0x1c: {  	s13 =	sshll.u32 s9, $0x2  }
0x1d: {  	_ =	swait.ge [sflag:s5], $0x4000;
	s14 =	sshll.u32 s11, $0xE;
	s16 =	simm.s32 $0x0  }
0x1e: {  	p1 =	por $0x1, $0x1;
	s13 =	sand.u32 $0x10000, s13;
	[sflag:s5] =	ssyncset.done $0x0  }
0x1f: {  	s14 =	sand.u32 $0x4000, s14;
	s15 =	sshrl.u32 s13, $0x2;
	[sflag:s5] =	ssyncadd.s32 $0xFFFFC000  }
0x20: {  	s13 =	sor.u32 $0x8000, s14;
	s14 =	sadd.s32 $0x8040, s15;
	s15 =	sadd.s32 $0x40, s15  }
.LBB1_3:
0x21: {  	s16 =	sshll.u32 s16, $0x2  }
0x22: {  	p0 =	por p1, p1;
	s17 =	sshra.s32 s16, $0x2  }
0x23: {  	s18 =	simm.s32 $0x0;
	s16 =	sadd.s32 s17, s14;
	s17 =	sadd.s32 s17, s15  }
.LBB1_4:
0x24: {  	v0 =	vmov s17;
	_ =	sdelay $0x3  }
0x25: {  	s20 =	simm.s32 $0x0  }
0x26: {  	v6 =	vld.idx.msk [tilespmem:v0+s20+$0x30 ss:$0x1], $0xffff  }
0x27: {  	v7 =	vld.idx.msk [tilespmem:v0+s20+$0xFFFFFFC0 ss:$0x1], $0xffff  }
0x28: {  	v5 =	vld.idx.msk [tilespmem:v0+s20+$0xFFFFFFD0 ss:$0x1], $0xffff  }
0x29: {  	v4 =	vld.idx.msk [tilespmem:v0+s20+$0xFFFFFFE0 ss:$0x1], $0xffff  }
0x2a: {  	v3 =	vld.idx.msk [tilespmem:v0+s20+$0xFFFFFFF0 ss:$0x1], $0xffff  }
0x2b: {  	v1 =	vld.idx.msk [tilespmem:v0+s20+$0x0 ss:$0x1], $0xffff  }
0x2c: {  	v2 =	vld.idx.msk [tilespmem:v0+s20+$0x10 ss:$0x1], $0xffff;
	[tilespmem:s16+$0x30] =	vst v6  }
0x2d: {  	s19 =	simm.s32 $0x80;
	s21 =	simm.s32 $0x400;
	[tilespmem:s16+$0xFFFFFFC0] =	vst v7;
	v6 =	vld.idx.msk [tilespmem:v0+s20+$0x20 ss:$0x1], $0xffff;
	s20 =	smov.u32 s16  }
.LBB1_5:
0x2e: {  	p1 =	sne.s32 s21, $0xE00;
	v7 =	vld.idx.msk [tilespmem:v0+s19+$0x30 ss:$0x1], $0xffff;
	[tilespmem:s20+$0xFFFFFFD0] =	vst v5  }
0x2f: {  	v8 =	vld.idx.msk [tilespmem:v0+s19+$0xFFFFFFC0 ss:$0x1], $0xffff;
	[tilespmem:s20+$0xFFFFFFE0] =	vst v4  }
0x30: {  	v5 =	vld.idx.msk [tilespmem:v0+s19+$0xFFFFFFD0 ss:$0x1], $0xffff;
	[tilespmem:s20+$0xFFFFFFF0] =	vst v3  }
.Ltmp3:
0x31: {  	v4 =	vld.idx.msk [tilespmem:v0+s19+$0xFFFFFFE0 ss:$0x1], $0xffff;
	[tilespmem:s20+$0x0] =	vst v1;
	(pc) =	sbr.rel @p1 .LBB1_5-.Ltmp3, $4  }
0x32: {  	v3 =	vld.idx.msk [tilespmem:v0+s19+$0xFFFFFFF0 ss:$0x1], $0xffff;
	[tilespmem:s20+$0x10] =	vst v2  }
0x33: {  	v1 =	vld.idx.msk [tilespmem:v0+s19+$0x0 ss:$0x1], $0xffff;
	[tilespmem:s20+$0x20] =	vst v6;
	s20 =	sadd.s32 $0x400, s20  }
0x34: {  	v2 =	vld.idx.msk [tilespmem:v0+s19+$0x10 ss:$0x1], $0xffff;
	[tilespmem:s20+$0x30] =	vst v7  }
0x35: {  	[tilespmem:s20+$0xFFFFFFC0] =	vst v8;
	v6 =	vld.idx.msk [tilespmem:v0+s19+$0x20 ss:$0x1], $0xffff;
	s19 =	sshra.s32 s21, $0x2;
	s21 =	sadd.s32 $0x200, s21  }
0x36: {  	_ =	sdelay $0x2  }
0x37: {  	[tilespmem:s20+$0xFFFFFFD0] =	vst v5  }
0x38: {  	v56 =	vld.idx.msk [tilespmem:v0+s19+$0x30 ss:$0x1], $0xffff;
	[tilespmem:s20+$0xFFFFFFE0] =	vst v4  }
0x39: {  	v57 =	vld.idx.msk [tilespmem:v0+s19+$0xFFFFFFC0 ss:$0x1], $0xffff;
	[tilespmem:s20+$0xFFFFFFF0] =	vst v3  }
0x3a: {  	v58 =	vld.idx.msk [tilespmem:v0+s19+$0xFFFFFFD0 ss:$0x1], $0xffff;
	[tilespmem:s20+$0x0] =	vst v1  }
0x3b: {  	v59 =	vld.idx.msk [tilespmem:v0+s19+$0xFFFFFFE0 ss:$0x1], $0xffff;
	[tilespmem:s20+$0x10] =	vst v2  }
0x3c: {  	v60 =	vld.idx.msk [tilespmem:v0+s19+$0xFFFFFFF0 ss:$0x1], $0xffff;
	s31 =	sadd.s32 $0x400, s20;
	[tilespmem:s20+$0x20] =	vst v6  }
0x3d: {  	v61 =	vld.idx.msk [tilespmem:v0+s19+$0x0 ss:$0x1], $0xffff;
	[tilespmem:s31+$0x30] =	vst v56  }
0x3e: {  	v62 =	vld.idx.msk [tilespmem:v0+s19+$0x10 ss:$0x1], $0xffff;
	s18 =	sadd.s32 $0x1, s18;
	[tilespmem:s31+$0xFFFFFFC0] =	vst v57  }
0x3f: {  	v63 =	vld.idx.msk [tilespmem:v0+s19+$0x20 ss:$0x1], $0xffff;
	p1 =	sne.s32 s18, $0x8;
	[tilespmem:s31+$0xFFFFFFD0] =	vst v58  }
.Ltmp4:
0x40: {  	[tilespmem:s31+$0xFFFFFFE0] =	vst v59;
	(pc) =	sbr.rel @p1 .LBB1_4-.Ltmp4, $4  }
0x41: {  	[tilespmem:s31+$0xFFFFFFF0] =	vst v60  }
0x42: {  	[tilespmem:s31+$0x0] =	vst v61  }
0x43: {  	[tilespmem:s31+$0x10] =	vst v62  }
0x44: {  	s16 =	sadd.s32 $0x80, s16;
	s17 =	sadd.s32 $0x400, s17;
	[tilespmem:s31+$0x20] =	vst v63  }
.Ltmp5:
0x45: {  	(pc) =	sbr.rel @p0 .LBB1_3-.Ltmp5, $2  }
0x46: {  	_ =	sdelay $0x2  }
0x47: {  	s16 =	simm.s32 $0x2000;
	p1 =	por $0x0, $0x0  }
.Ltmp6:
0x48: {  	(pc) =	sbr.rel .LBB1_9-.Ltmp6, $4  }
0x49: {  	_ = 	snop  }
0x4a: {  	s12 =	sshll.u32 s12, $0xA  }
0x4b: {  	s12 =	sadd.s32 s4, s12  }
0x4c: {  	[hbm4b:s12+s8] =	stream.linear.scatter [tilespmem:s13], [sflag:$0x2], $0x4000, $0x38;
	[tilespmem:$0x10000] =	vst v63  }
.LBB1_10:
0x4d: {  	_ =	sfence.sel $0x180000  }
0x4e: {  	s2 =	simm.s32 $0x1;
	[bflag:$0x0] =	sbarrier.arrive $0xFFFF  }
0x4f: {  	s31 =	simm.s32 $0x2;
	[sflag:s2] =	ssyncpa.u1 $0x1  }
0x50: {  	[sflag:s31] =	ssyncpa.u1 $0x1  }
0x51: {  	p0 =	sne.s32 s0, $0x0;
	_ =	strace $0x90000047  }
0x52: {  	s0 =	sadd.s32 @!p0 $0x100000, s1;
	[bflag:$0x2] =	sbarrier.arrive $0xFFFF  }
0x53: {  	[sflag:s0] =	ssyncadd.tile.s32 @!p0 $0x1;
	_ =	shalt  }
.Lfunc_end1:
_tile_overlayer_lowered:
.L_overlay_start_2:
0x54: {  	(tag) =	ssettag $0x2  }
0x55: {  	s0 =	rddreg [dreg:$0x0];
	s2 =	stileid.u32  }
0x56: {  	s1 =	rddreg [dreg:$0x1];
	p0 =	sne.s32 s2, $0x0  }
0x57: {  	s3 =	rddreg [dreg:$0x2];
	[bflag:$0x3] =	sbarrier.arrive $0xFFFF;
	s2 =	simm.s32 @!p0 $0x1C01  }
0x58: {  	[timem:s3], [sflag:s2] =	dma.local @!p0 [hbm:s0], s1  }
0x59: {  	s0 =	simm.s32 @!p0 $0x1  }
0x5a: {  	_ =	swait.ge @!p0 [sflag:s0], s1  }
0x5b: {  	s1 =	ssub.s32 @!p0 $0x0, s1;
	[sflag:s0] =	ssyncset.done @!p0 $0x0  }
0x5c: {  	[sflag:s0] =	ssyncadd.s32 @!p0 s1  }
0x5d: {  	[bflag:$0x3] =	sbarrier.arrive $0xFFFF  }
0x5e: {  	_ =	shalt  }

</sc_bundles>
